<compile_context>
chip_gen: v7x
topology: tpu7x:2x2x1
jax: 0.10.2.dev20260603
libtpu: 0.0.44.dev20260713+nightly
codegen_flags: <defaults>
</compile_context>

<pallas_src>
import functools

import jax
import jax.numpy as jnp
from jax import lax
from jax.experimental import pallas as pl
from jax.experimental.pallas import tpu as pltpu
from jax.experimental.pallas import tpu_sc as plsc

_VOCAB = 1000
_VPAD = 1024
_NSUB = _VPAD // 128
_EMBED = 128
_BATCH = 1024
_NC = 2
_NS = 16
_NW = _NC * _NS
_BPW = _BATCH // _NW
_L = 16
_NFULL = _VOCAB // _L
_TAIL_START = _VOCAB - _L
_TAIL_KEEP = _NFULL * _L - _TAIL_START


def _mm_exp_body(v_ref, u_ref, em_ref):
    m = lax.dot_general(v_ref[...], u_ref[...],
                        dimension_numbers=(((1,), (1,)), ((), ())),
                        preferred_element_type=jnp.float32)
    em = jnp.exp(m)
    for s in range(_NSUB - 1):
        em_ref[pl.ds(s * _VOCAB, _VOCAB), :] = em[:, s * 128:(s + 1) * 128]
    last = _VOCAB - 128 * (_NSUB - 1)
    em_ref[pl.ds((_NSUB - 1) * _VOCAB, _VOCAB), pl.ds(0, last)] = (
        em[:, 128 * (_NSUB - 1):])


def _mm_exp(v, u):
    return pl.pallas_call(
        _mm_exp_body,
        out_shape=jax.ShapeDtypeStruct((_NSUB * _VOCAB, 128), jnp.float32),
    )(v, u)


_sc_mesh = plsc.VectorSubcoreMesh(core_axis_name="c", subcore_axis_name="s")


@functools.partial(
    pl.kernel,
    mesh=_sc_mesh,
    compiler_params=pltpu.CompilerParams(
        use_tc_tiling_on_sc=False, needs_layout_passes=False,
        disable_bounds_checks=True, skip_device_barrier=True),
    out_type=(
        jax.ShapeDtypeStruct((_BATCH,), jnp.float32),
        jax.ShapeDtypeStruct((_BATCH,), jnp.float32),
    ),
    scratch_types=[
        pltpu.VMEM((_BPW,), jnp.int32),
        pltpu.VMEM((_BPW,), jnp.int32),
        pltpu.VMEM((_BPW * _NSUB // 2,), jnp.int32),
        pltpu.VMEM((_BPW * _NSUB // 2,), jnp.int32),
        pltpu.VMEM((_VOCAB // 8, 8, _L), jnp.int32),
        pltpu.VMEM((_VOCAB // 8, 8, _L), jnp.int32),
        pltpu.VMEM((_BPW * _NSUB // 2, 128), jnp.float32),
        pltpu.VMEM((_BPW * _NSUB // 2, 128), jnp.float32),
        pltpu.VMEM((_BPW,), jnp.float32),
        pltpu.VMEM((_BPW,), jnp.float32),
        pltpu.SemaphoreType.DMA,
        pltpu.SemaphoreType.DMA,
        pltpu.SemaphoreType.DMA,
        pltpu.SemaphoreType.DMA,
    ],
)
def _sc_gather(em_hbm, c_hbm, t_hbm, a_hbm, denom_hbm, escore_hbm,
               cidx, tidx, c8a, c8b, av_a, av_b, rows_a, rows_b,
               dstage, estage, sem_a, sem_b, sem_va, sem_vb):
    wid = lax.axis_index("s") * _NC + lax.axis_index("c")
    base = wid * _BPW
    pltpu.sync_copy(c_hbm.at[pl.ds(base, _BPW)], cidx)
    tb = wid >> 2
    bo = (wid & 3) * _BPW
    av_cp_a = pltpu.async_copy(
        a_hbm.at[:, tb, :, pl.ds(bo, _L)], av_a, sem_va)

    lanes = lax.iota(jnp.int32, _L)
    smul = (lanes & 7) * _VOCAB
    half = _BPW * _NSUB // 2
    for c in range(half // _L):
        rsel = (lanes >> 3) + 2 * c
        c8a[pl.ds(c * _L, _L)] = smul + plsc.load_gather(cidx, [rsel])
    cp_a = pltpu.async_copy(em_hbm.at[c8a], rows_a, sem_a)
    av_cp_b = pltpu.async_copy(
        a_hbm.at[:, tb, :, pl.ds(bo + _L, _L)], av_b, sem_vb)
    for c in range(half // _L):
        rsel = (lanes >> 3) + 2 * c
        c8b[pl.ds(c * _L, _L)] = smul + plsc.load_gather(cidx, [rsel + _L])
    cp_b = pltpu.async_copy(em_hbm.at[c8b], rows_b, sem_b)
    pltpu.sync_copy(t_hbm.at[pl.ds(base, _BPW)], tidx)

    lanes8 = lanes * _NSUB

    def _make_chunk(av_ref, rows_ref):
        def _chunk(tj, acc):
            for jr in range(8):
                col = av_ref[tj, jr, :]
                acc = acc + plsc.load_gather(
                    rows_ref, [lanes8 + (col >> 7), col & 127])
            return acc
        return _chunk

    for g, (av_ref, rows_ref, waits) in enumerate((
            (av_a, rows_a, (av_cp_a, cp_a)),
            (av_b, rows_b, (av_cp_b, cp_b)))):
        for w in waits:
            w.wait()
        dsums = lax.fori_loop(0, _VOCAB // 8, _make_chunk(av_ref, rows_ref),
                              jnp.zeros((_L,), jnp.float32))
        dstage[pl.ds(g * _L, _L)] = dsums
        tcol = tidx[pl.ds(g * _L, _L)]
        estage[pl.ds(g * _L, _L)] = plsc.load_gather(
            rows_ref, [lanes * _NSUB + (tcol >> 7), tcol & 127])

    pltpu.sync_copy(dstage, denom_hbm.at[pl.ds(base, _BPW)])
    pltpu.sync_copy(estage, escore_hbm.at[pl.ds(base, _BPW)])


def _nll_body(d_ref, e_ref, o_ref):
    t = jnp.sum(jnp.log(d_ref[...])) - jnp.sum(jnp.log(e_ref[...]))
    o_ref[0, 0] = t * (1.0 / _BATCH)


def _nll(denom, escore):
    return pl.pallas_call(
        _nll_body,
        out_shape=jax.ShapeDtypeStruct((1, 1), jnp.float32),
        out_specs=pl.BlockSpec(memory_space=pltpu.SMEM),
    )(denom.reshape(8, 128), escore.reshape(8, 128))


def kernel(center_words, target_words, all_vocabs, embedding_v, embedding_u):
    c32 = center_words.reshape(-1).astype(jnp.int32)
    t32 = target_words.reshape(-1).astype(jnp.int32)
    a4 = (all_vocabs.astype(jnp.int32).T
          .reshape(_VOCAB // 8, 8, _BATCH // 128, 128)
          .transpose(0, 2, 1, 3))
    em = _mm_exp(embedding_v, embedding_u)
    denom, escore = _sc_gather(em, c32, t32, a4)
    return _nll(denom, escore)[0, 0]

# --- scband reference (transcript-rebuilt; emitter-appended) ---
"""Pipeline reference for scband-skipgram-24644522344718 (READ-ONLY COPY).

The authoritative reference and input builder live on the scoring server;
editing this copy changes nothing except your own understanding.
"""

import jax, jax.numpy as jnp
import numpy as np

VOCAB = 1000
EMBED = 128
BATCH = 1024

def setup_inputs(seed: int = 0) -> dict:
    key = jax.random.key(seed)
    k1, k2, k3, k4, k5 = [jax.random.fold_in(key, i) for i in range(5)]
    center_words = jax.random.randint(k1, (BATCH, 1), 0, VOCAB, dtype=jnp.int64) if jax.config.jax_enable_x64 else jax.random.randint(k1, (BATCH, 1), 0, VOCAB, dtype=jnp.int32)
    target_words = jax.random.randint(k2, (BATCH, 1), 0, VOCAB, dtype=center_words.dtype)
    all_vocabs = jax.random.randint(k3, (BATCH, VOCAB), 0, VOCAB, dtype=center_words.dtype)
    embedding_v = jax.random.normal(k4, (VOCAB, EMBED), dtype=jnp.float32)
    embedding_u = jax.random.normal(k5, (VOCAB, EMBED), dtype=jnp.float32)
    return {
        "center_words": center_words,
        "target_words": target_words,
        "all_vocabs": all_vocabs,
        "embedding_v": embedding_v,
        "embedding_u": embedding_u,
    }

def reference(center_words, target_words, all_vocabs, embedding_v, embedding_u):
    # nn.Embedding lookups -> gathers
    center_embeds = jnp.take(embedding_v, center_words, axis=0)   # [B, 1, d]
    target_embeds = jnp.take(embedding_u, target_words, axis=0)   # [B, 1, d]
    all_embeds = jnp.take(embedding_u, all_vocabs, axis=0)        # [B, V, d]
    # scores = target_embeds.bmm(center_embeds.transpose(1,2)).squeeze(2) -> [B, 1]
    scores = jnp.matmul(target_embeds, jnp.swapaxes(center_embeds, 1, 2))[..., 0]
    # norm_scores = all_embeds.bmm(center_embeds.transpose(1,2)).squeeze(2) -> [B, V]
    norm_scores = jnp.matmul(all_embeds, jnp.swapaxes(center_embeds, 1, 2))[..., 0]
    denom = jnp.sum(jnp.exp(norm_scores), axis=1)[:, None]        # [B, 1]
    nll = -1.0 * jnp.mean(jnp.log(jnp.exp(scores) / denom))
    return nll

if __name__ == "__main__":
    import jax
    _d = setup_inputs()
    print(jax.jit(kernel)(*tuple(_d.values())))

</pallas_src>

<mosaic_0001>
#map = affine_map<(d0, d1) -> (0, 0)>
#map1 = affine_map<(d0, d1) -> (0)>
#map2 = affine_map<(d0, d1) -> (0, 0, 0, 0)>
module attributes {stable_mosaic.version = 14 : i64} {
  func.func @_sc_gather(%arg0: i32, %arg1: i32, %arg2: memref<8000x128xf32, #tpu.memory_space<hbm>>, %arg3: memref<1024xi32, #tpu.memory_space<hbm>>, %arg4: memref<1024xi32, #tpu.memory_space<hbm>>, %arg5: memref<125x8x8x128xi32, #tpu.memory_space<hbm>>, %arg6: memref<1024xf32, #tpu.memory_space<hbm>>, %arg7: memref<1024xf32, #tpu.memory_space<hbm>>, %arg8: memref<32xi32, #tpu.memory_space<vmem>>, %arg9: memref<32xi32, #tpu.memory_space<vmem>>, %arg10: memref<128xi32, #tpu.memory_space<vmem>>, %arg11: memref<128xi32, #tpu.memory_space<vmem>>, %arg12: memref<125x8x16xi32, #tpu.memory_space<vmem>>, %arg13: memref<125x8x16xi32, #tpu.memory_space<vmem>>, %arg14: memref<128x128xf32, #tpu.memory_space<vmem>>, %arg15: memref<128x128xf32, #tpu.memory_space<vmem>>, %arg16: memref<32xf32, #tpu.memory_space<vmem>>, %arg17: memref<32xf32, #tpu.memory_space<vmem>>, %arg18: memref<!tpu.dma_semaphore, #tpu.memory_space<semaphore_mem>>, %arg19: memref<!tpu.dma_semaphore, #tpu.memory_space<semaphore_mem>>, %arg20: memref<!tpu.dma_semaphore, #tpu.memory_space<semaphore_mem>>, %arg21: memref<!tpu.dma_semaphore, #tpu.memory_space<semaphore_mem>>) attributes {dimension_semantics = [#tpu.dimension_semantics<core_parallel>, #tpu.dimension_semantics<subcore_parallel>], iteration_bounds = array<i64: 2, 16>, scalar_prefetch = 0 : i64, scratch_operands = 14 : i64, tpu.core_type = #tpu.core_type<sc_vector_subcore>, window_params = [{transform_indices = #map}, {transform_indices = #map1}, {transform_indices = #map1}, {transform_indices = #map2}, {transform_indices = #map1}, {transform_indices = #map1}]} {
    %mul3A = arith.constant 2 : i32
    %mul3A_0 = arith.muli %arg1, %mul3A : i32
    %add3A = arith.addi %mul3A_0, %arg0 : i32
    %mul3A_1 = arith.constant 32 : i32
    %mul3A_2 = arith.muli %add3A, %mul3A_1 : i32
    "tpu.region"() ({
      %run_scoped3A = tpu.sem_alloc : memref<!tpu.dma_semaphore, #tpu.memory_space<semaphore_mem>>
      %dma_start3A_289 = tpu.memref_slice %arg3[%mul3A_2] : memref<1024xi32, #tpu.memory_space<hbm>> -> memref<32xi32, #tpu.memory_space<hbm>>
      %dma_start3A_290 = tpu.memref_slice %arg3[%mul3A_2] : memref<1024xi32, #tpu.memory_space<hbm>> -> memref<32xi32, #tpu.memory_space<hbm>>
      tpu.enqueue_dma source(%dma_start3A_290 : memref<32xi32, #tpu.memory_space<hbm>>) target(%arg8 : memref<32xi32, #tpu.memory_space<vmem>>) target_semaphore(%run_scoped3A : memref<!tpu.dma_semaphore, #tpu.memory_space<semaphore_mem>>)
      %dma_wait3A_291 = tpu.memref_slice %arg3[%mul3A_2] : memref<1024xi32, #tpu.memory_space<hbm>> -> memref<32xi32, #tpu.memory_space<hbm>>
      %dma_wait3A_292 = tpu.memref_slice %arg3[%mul3A_2] : memref<1024xi32, #tpu.memory_space<hbm>> -> memref<32xi32, #tpu.memory_space<hbm>>
      tpu.wait_dma2 semaphore(%run_scoped3A : memref<!tpu.dma_semaphore, #tpu.memory_space<semaphore_mem>>) src(%dma_wait3A_292 : memref<32xi32, #tpu.memory_space<hbm>>) dst(%arg8 : memref<32xi32, #tpu.memory_space<vmem>>)
      tpu.yield
    }) : () -> ()
    %shift_right_arithmetic3A = arith.constant 2 : i32
    %shift_right_arithmetic3A_3 = arith.shrsi %add3A, %shift_right_arithmetic3A : i32
    %and3A = arith.constant 3 : i32
    %and3A_4 = arith.andi %add3A, %and3A : i32
    %mul3A_5 = arith.constant 32 : i32
    %mul3A_6 = arith.muli %and3A_4, %mul3A_5 : i32
    %dma_start3A = arith.constant 0 : i32
    %dma_start3A_7 = arith.constant 0 : i32
    %dma_start3A_8 = tpu.memref_slice %arg5[%dma_start3A, %shift_right_arithmetic3A_3, %dma_start3A_7, %mul3A_6] : memref<125x8x8x128xi32, #tpu.memory_space<hbm>> -> memref<125x1x8x16xi32, #tpu.memory_space<hbm>>
    %dma_start3A_9 = tpu.memref_squeeze %dma_start3A_8 : memref<125x1x8x16xi32, #tpu.memory_space<hbm>> -> memref<125x8x16xi32, #tpu.memory_space<hbm>>
    %dma_start3A_10 = arith.constant 0 : i32
    %dma_start3A_11 = arith.constant 0 : i32
    %dma_start3A_12 = tpu.memref_slice %arg5[%dma_start3A_10, %shift_right_arithmetic3A_3, %dma_start3A_11, %mul3A_6] : memref<125x8x8x128xi32, #tpu.memory_space<hbm>> -> memref<125x1x8x16xi32, #tpu.memory_space<hbm>>
    %dma_start3A_13 = tpu.memref_squeeze %dma_start3A_12 : memref<125x1x8x16xi32, #tpu.memory_space<hbm>> -> memref<125x8x16xi32, #tpu.memory_space<hbm>>
    tpu.enqueue_dma source(%dma_start3A_13 : memref<125x8x16xi32, #tpu.memory_space<hbm>>) target(%arg12 : memref<125x8x16xi32, #tpu.memory_space<vmem>>) target_semaphore(%arg20 : memref<!tpu.dma_semaphore, #tpu.memory_space<semaphore_mem>>)
    %iota3A = tpu.iota {dimensions = array<i32: 0>} : vector<16xi32>
    %and3A_14 = arith.constant 7 : i32
    %and3A_15 = vector.broadcast %and3A_14 : i32 to vector<16xi32>
    %and3A_16 = arith.andi %iota3A, %and3A_15 : vector<16xi32>
    %mul3A_17 = arith.constant 1000 : i32
    %mul3A_18 = vector.broadcast %mul3A_17 : i32 to vector<16xi32>
    %mul3A_19 = arith.muli %and3A_16, %mul3A_18 : vector<16xi32>
    %shift_right_arithmetic3A_20 = arith.constant 3 : i32
    %shift_right_arithmetic3A_21 = vector.broadcast %shift_right_arithmetic3A_20 : i32 to vector<16xi32>
    %shift_right_arithmetic3A_22 = arith.shrsi %iota3A, %shift_right_arithmetic3A_21 : vector<16xi32>
    %add3A_23 = arith.constant 0 : i32
    %add3A_24 = vector.broadcast %add3A_23 : i32 to vector<16xi32>
    %add3A_25 = arith.addi %shift_right_arithmetic3A_22, %add3A_24 : vector<16xi32>
    %gather3A = tpu.vector_load_idx %arg8[%add3A_25] : memref<32xi32, #tpu.memory_space<vmem>>[vector<16xi32>], vector<16xi32>,
    %add3A_26 = arith.addi %mul3A_19, %gather3A : vector<16xi32>
    %swap3A = arith.constant 0 : index
    %swap3A_27 = tpu.vector_load %arg10[%swap3A] {strides = array<i32>} : memref<128xi32, #tpu.memory_space<vmem>>, vector<16xi32>,
    tpu.vector_store %arg10[%swap3A], %add3A_26 {strides = array<i32>} : memref<128xi32, #tpu.memory_space<vmem>>, vector<16xi32>,
    %shift_right_arithmetic3A_28 = arith.constant 3 : i32
    %shift_right_arithmetic3A_29 = vector.broadcast %shift_right_arithmetic3A_28 : i32 to vector<16xi32>
    %shift_right_arithmetic3A_30 = arith.shrsi %iota3A, %shift_right_arithmetic3A_29 : vector<16xi32>
    %add3A_31 = arith.constant 2 : i32
    %add3A_32 = vector.broadcast %add3A_31 : i32 to vector<16xi32>
    %add3A_33 = arith.addi %shift_right_arithmetic3A_30, %add3A_32 : vector<16xi32>
    %gather3A_34 = tpu.vector_load_idx %arg8[%add3A_33] : memref<32xi32, #tpu.memory_space<vmem>>[vector<16xi32>], vector<16xi32>,
    %add3A_35 = arith.addi %mul3A_19, %gather3A_34 : vector<16xi32>
    %swap3A_36 = arith.constant 16 : index
    %swap3A_37 = tpu.vector_load %arg10[%swap3A_36] {strides = array<i32>} : memref<128xi32, #tpu.memory_space<vmem>>, vector<16xi32>,
    tpu.vector_store %arg10[%swap3A_36], %add3A_35 {strides = array<i32>} : memref<128xi32, #tpu.memory_space<vmem>>, vector<16xi32>,
    %shift_right_arithmetic3A_38 = arith.constant 3 : i32
    %shift_right_arithmetic3A_39 = vector.broadcast %shift_right_arithmetic3A_38 : i32 to vector<16xi32>
    %shift_right_arithmetic3A_40 = arith.shrsi %iota3A, %shift_right_arithmetic3A_39 : vector<16xi32>
    %add3A_41 = arith.constant 4 : i32
    %add3A_42 = vector.broadcast %add3A_41 : i32 to vector<16xi32>
    %add3A_43 = arith.addi %shift_right_arithmetic3A_40, %add3A_42 : vector<16xi32>
    %gather3A_44 = tpu.vector_load_idx %arg8[%add3A_43] : memref<32xi32, #tpu.memory_space<vmem>>[vector<16xi32>], vector<16xi32>,
    %add3A_45 = arith.addi %mul3A_19, %gather3A_44 : vector<16xi32>
    %swap3A_46 = arith.constant 32 : index
    %swap3A_47 = tpu.vector_load %arg10[%swap3A_46] {strides = array<i32>} : memref<128xi32, #tpu.memory_space<vmem>>, vector<16xi32>,
    tpu.vector_store %arg10[%swap3A_46], %add3A_45 {strides = array<i32>} : memref<128xi32, #tpu.memory_space<vmem>>, vector<16xi32>,
    %shift_right_arithmetic3A_48 = arith.constant 3 : i32
    %shift_right_arithmetic3A_49 = vector.broadcast %shift_right_arithmetic3A_48 : i32 to vector<16xi32>
    %shift_right_arithmetic3A_50 = arith.shrsi %iota3A, %shift_right_arithmetic3A_49 : vector<16xi32>
    %add3A_51 = arith.constant 6 : i32
    %add3A_52 = vector.broadcast %add3A_51 : i32 to vector<16xi32>
    %add3A_53 = arith.addi %shift_right_arithmetic3A_50, %add3A_52 : vector<16xi32>
    %gather3A_54 = tpu.vector_load_idx %arg8[%add3A_53] : memref<32xi32, #tpu.memory_space<vmem>>[vector<16xi32>], vector<16xi32>,
    %add3A_55 = arith.addi %mul3A_19, %gather3A_54 : vector<16xi32>
    %swap3A_56 = arith.constant 48 : index
    %swap3A_57 = tpu.vector_load %arg10[%swap3A_56] {strides = array<i32>} : memref<128xi32, #tpu.memory_space<vmem>>, vector<16xi32>,
    tpu.vector_store %arg10[%swap3A_56], %add3A_55 {strides = array<i32>} : memref<128xi32, #tpu.memory_space<vmem>>, vector<16xi32>,
    %shift_right_arithmetic3A_58 = arith.constant 3 : i32
    %shift_right_arithmetic3A_59 = vector.broadcast %shift_right_arithmetic3A_58 : i32 to vector<16xi32>
    %shift_right_arithmetic3A_60 = arith.shrsi %iota3A, %shift_right_arithmetic3A_59 : vector<16xi32>
    %add3A_61 = arith.constant 8 : i32
    %add3A_62 = vector.broadcast %add3A_61 : i32 to vector<16xi32>
    %add3A_63 = arith.addi %shift_right_arithmetic3A_60, %add3A_62 : vector<16xi32>
    %gather3A_64 = tpu.vector_load_idx %arg8[%add3A_63] : memref<32xi32, #tpu.memory_space<vmem>>[vector<16xi32>], vector<16xi32>,
    %add3A_65 = arith.addi %mul3A_19, %gather3A_64 : vector<16xi32>
    %swap3A_66 = arith.constant 64 : index
    %swap3A_67 = tpu.vector_load %arg10[%swap3A_66] {strides = array<i32>} : memref<128xi32, #tpu.memory_space<vmem>>, vector<16xi32>,
    tpu.vector_store %arg10[%swap3A_66], %add3A_65 {strides = array<i32>} : memref<128xi32, #tpu.memory_space<vmem>>, vector<16xi32>,
    %shift_right_arithmetic3A_68 = arith.constant 3 : i32
    %shift_right_arithmetic3A_69 = vector.broadcast %shift_right_arithmetic3A_68 : i32 to vector<16xi32>
    %shift_right_arithmetic3A_70 = arith.shrsi %iota3A, %shift_right_arithmetic3A_69 : vector<16xi32>
    %add3A_71 = arith.constant 10 : i32
    %add3A_72 = vector.broadcast %add3A_71 : i32 to vector<16xi32>
    %add3A_73 = arith.addi %shift_right_arithmetic3A_70, %add3A_72 : vector<16xi32>
    %gather3A_74 = tpu.vector_load_idx %arg8[%add3A_73] : memref<32xi32, #tpu.memory_space<vmem>>[vector<16xi32>], vector<16xi32>,
    %add3A_75 = arith.addi %mul3A_19, %gather3A_74 : vector<16xi32>
    %swap3A_76 = arith.constant 80 : index
    %swap3A_77 = tpu.vector_load %arg10[%swap3A_76] {strides = array<i32>} : memref<128xi32, #tpu.memory_space<vmem>>, vector<16xi32>,
    tpu.vector_store %arg10[%swap3A_76], %add3A_75 {strides = array<i32>} : memref<128xi32, #tpu.memory_space<vmem>>, vector<16xi32>,
    %shift_right_arithmetic3A_78 = arith.constant 3 : i32
    %shift_right_arithmetic3A_79 = vector.broadcast %shift_right_arithmetic3A_78 : i32 to vector<16xi32>
    %shift_right_arithmetic3A_80 = arith.shrsi %iota3A, %shift_right_arithmetic3A_79 : vector<16xi32>
    %add3A_81 = arith.constant 12 : i32
    %add3A_82 = vector.broadcast %add3A_81 : i32 to vector<16xi32>
    %add3A_83 = arith.addi %shift_right_arithmetic3A_80, %add3A_82 : vector<16xi32>
    %gather3A_84 = tpu.vector_load_idx %arg8[%add3A_83] : memref<32xi32, #tpu.memory_space<vmem>>[vector<16xi32>], vector<16xi32>,
    %add3A_85 = arith.addi %mul3A_19, %gather3A_84 : vector<16xi32>
    %swap3A_86 = arith.constant 96 : index
    %swap3A_87 = tpu.vector_load %arg10[%swap3A_86] {strides = array<i32>} : memref<128xi32, #tpu.memory_space<vmem>>, vector<16xi32>,
    tpu.vector_store %arg10[%swap3A_86], %add3A_85 {strides = array<i32>} : memref<128xi32, #tpu.memory_space<vmem>>, vector<16xi32>,
    %shift_right_arithmetic3A_88 = arith.constant 3 : i32
    %shift_right_arithmetic3A_89 = vector.broadcast %shift_right_arithmetic3A_88 : i32 to vector<16xi32>
    %shift_right_arithmetic3A_90 = arith.shrsi %iota3A, %shift_right_arithmetic3A_89 : vector<16xi32>
    %add3A_91 = arith.constant 14 : i32
    %add3A_92 = vector.broadcast %add3A_91 : i32 to vector<16xi32>
    %add3A_93 = arith.addi %shift_right_arithmetic3A_90, %add3A_92 : vector<16xi32>
    %gather3A_94 = tpu.vector_load_idx %arg8[%add3A_93] : memref<32xi32, #tpu.memory_space<vmem>>[vector<16xi32>], vector<16xi32>,
    %add3A_95 = arith.addi %mul3A_19, %gather3A_94 : vector<16xi32>
    %swap3A_96 = arith.constant 112 : index
    %swap3A_97 = tpu.vector_load %arg10[%swap3A_96] {strides = array<i32>} : memref<128xi32, #tpu.memory_space<vmem>>, vector<16xi32>,
    tpu.vector_store %arg10[%swap3A_96], %add3A_95 {strides = array<i32>} : memref<128xi32, #tpu.memory_space<vmem>>, vector<16xi32>,
    %dma_start3A_98 = arith.constant 0 : i32
    %dma_start3A_99 = arith.constant 0 : i32
    %dma_start3A_100 = tpu.memref_slice %arg2[%dma_start3A_98, %dma_start3A_99] : memref<8000x128xf32, #tpu.memory_space<hbm>> -> memref<8000x128xf32, #tpu.memory_space<hbm>>
    tpu.enqueue_indirect_dma source(%dma_start3A_100 : memref<8000x128xf32, #tpu.memory_space<hbm>>) target(%arg14 : memref<128x128xf32, #tpu.memory_space<vmem>>) offsets(%arg10 : memref<128xi32, #tpu.memory_space<vmem>>) semaphore(%arg18 : memref<!tpu.dma_semaphore, #tpu.memory_space<semaphore_mem>>)
    %add3A_101 = arith.constant 16 : i32
    %add3A_102 = arith.addi %mul3A_6, %add3A_101 : i32
    %dma_start3A_103 = arith.constant 0 : i32
    %dma_start3A_104 = arith.constant 0 : i32
    %dma_start3A_105 = tpu.memref_slice %arg5[%dma_start3A_103, %shift_right_arithmetic3A_3, %dma_start3A_104, %add3A_102] : memref<125x8x8x128xi32, #tpu.memory_space<hbm>> -> memref<125x1x8x16xi32, #tpu.memory_space<hbm>>
    %dma_start3A_106 = tpu.memref_squeeze %dma_start3A_105 : memref<125x1x8x16xi32, #tpu.memory_space<hbm>> -> memref<125x8x16xi32, #tpu.memory_space<hbm>>
    %dma_start3A_107 = arith.constant 0 : i32
    %dma_start3A_108 = arith.constant 0 : i32
    %dma_start3A_109 = tpu.memref_slice %arg5[%dma_start3A_107, %shift_right_arithmetic3A_3, %dma_start3A_108, %add3A_102] : memref<125x8x8x128xi32, #tpu.memory_space<hbm>> -> memref<125x1x8x16xi32, #tpu.memory_space<hbm>>
    %dma_start3A_110 = tpu.memref_squeeze %dma_start3A_109 : memref<125x1x8x16xi32, #tpu.memory_space<hbm>> -> memref<125x8x16xi32, #tpu.memory_space<hbm>>
    tpu.enqueue_dma source(%dma_start3A_110 : memref<125x8x16xi32, #tpu.memory_space<hbm>>) target(%arg13 : memref<125x8x16xi32, #tpu.memory_space<vmem>>) target_semaphore(%arg21 : memref<!tpu.dma_semaphore, #tpu.memory_space<semaphore_mem>>)
    %shift_right_arithmetic3A_111 = arith.constant 3 : i32
    %shift_right_arithmetic3A_112 = vector.broadcast %shift_right_arithmetic3A_111 : i32 to vector<16xi32>
    %shift_right_arithmetic3A_113 = arith.shrsi %iota3A, %shift_right_arithmetic3A_112 : vector<16xi32>
    %add3A_114 = arith.constant 0 : i32
    %add3A_115 = vector.broadcast %add3A_114 : i32 to vector<16xi32>
    %add3A_116 = arith.addi %shift_right_arithmetic3A_113, %add3A_115 : vector<16xi32>
    %add3A_117 = arith.constant 16 : i32
    %add3A_118 = vector.broadcast %add3A_117 : i32 to vector<16xi32>
    %add3A_119 = arith.addi %add3A_116, %add3A_118 : vector<16xi32>
    %gather3A_120 = tpu.vector_load_idx %arg8[%add3A_119] : memref<32xi32, #tpu.memory_space<vmem>>[vector<16xi32>], vector<16xi32>,
    %add3A_121 = arith.addi %mul3A_19, %gather3A_120 : vector<16xi32>
    %swap3A_122 = arith.constant 0 : index
    %swap3A_123 = tpu.vector_load %arg11[%swap3A_122] {strides = array<i32>} : memref<128xi32, #tpu.memory_space<vmem>>, vector<16xi32>,
    tpu.vector_store %arg11[%swap3A_122], %add3A_121 {strides = array<i32>} : memref<128xi32, #tpu.memory_space<vmem>>, vector<16xi32>,
    %shift_right_arithmetic3A_124 = arith.constant 3 : i32
    %shift_right_arithmetic3A_125 = vector.broadcast %shift_right_arithmetic3A_124 : i32 to vector<16xi32>
    %shift_right_arithmetic3A_126 = arith.shrsi %iota3A, %shift_right_arithmetic3A_125 : vector<16xi32>
    %add3A_127 = arith.constant 2 : i32
    %add3A_128 = vector.broadcast %add3A_127 : i32 to vector<16xi32>
    %add3A_129 = arith.addi %shift_right_arithmetic3A_126, %add3A_128 : vector<16xi32>
    %add3A_130 = arith.constant 16 : i32
    %add3A_131 = vector.broadcast %add3A_130 : i32 to vector<16xi32>
    %add3A_132 = arith.addi %add3A_129, %add3A_131 : vector<16xi32>
    %gather3A_133 = tpu.vector_load_idx %arg8[%add3A_132] : memref<32xi32, #tpu.memory_space<vmem>>[vector<16xi32>], vector<16xi32>,
    %add3A_134 = arith.addi %mul3A_19, %gather3A_133 : vector<16xi32>
    %swap3A_135 = arith.constant 16 : index
    %swap3A_136 = tpu.vector_load %arg11[%swap3A_135] {strides = array<i32>} : memref<128xi32, #tpu.memory_space<vmem>>, vector<16xi32>,
    tpu.vector_store %arg11[%swap3A_135], %add3A_134 {strides = array<i32>} : memref<128xi32, #tpu.memory_space<vmem>>, vector<16xi32>,
    %shift_right_arithmetic3A_137 = arith.constant 3 : i32
    %shift_right_arithmetic3A_138 = vector.broadcast %shift_right_arithmetic3A_137 : i32 to vector<16xi32>
    %shift_right_arithmetic3A_139 = arith.shrsi %iota3A, %shift_right_arithmetic3A_138 : vector<16xi32>
    %add3A_140 = arith.constant 4 : i32
    %add3A_141 = vector.broadcast %add3A_140 : i32 to vector<16xi32>
    %add3A_142 = arith.addi %shift_right_arithmetic3A_139, %add3A_141 : vector<16xi32>
    %add3A_143 = arith.constant 16 : i32
    %add3A_144 = vector.broadcast %add3A_143 : i32 to vector<16xi32>
    %add3A_145 = arith.addi %add3A_142, %add3A_144 : vector<16xi32>
    %gather3A_146 = tpu.vector_load_idx %arg8[%add3A_145] : memref<32xi32, #tpu.memory_space<vmem>>[vector<16xi32>], vector<16xi32>,
    %add3A_147 = arith.addi %mul3A_19, %gather3A_146 : vector<16xi32>
    %swap3A_148 = arith.constant 32 : index
    %swap3A_149 = tpu.vector_load %arg11[%swap3A_148] {strides = array<i32>} : memref<128xi32, #tpu.memory_space<vmem>>, vector<16xi32>,
    tpu.vector_store %arg11[%swap3A_148], %add3A_147 {strides = array<i32>} : memref<128xi32, #tpu.memory_space<vmem>>, vector<16xi32>,
    %shift_right_arithmetic3A_150 = arith.constant 3 : i32
    %shift_right_arithmetic3A_151 = vector.broadcast %shift_right_arithmetic3A_150 : i32 to vector<16xi32>
    %shift_right_arithmetic3A_152 = arith.shrsi %iota3A, %shift_right_arithmetic3A_151 : vector<16xi32>
    %add3A_153 = arith.constant 6 : i32
    %add3A_154 = vector.broadcast %add3A_153 : i32 to vector<16xi32>
    %add3A_155 = arith.addi %shift_right_arithmetic3A_152, %add3A_154 : vector<16xi32>
    %add3A_156 = arith.constant 16 : i32
    %add3A_157 = vector.broadcast %add3A_156 : i32 to vector<16xi32>
    %add3A_158 = arith.addi %add3A_155, %add3A_157 : vector<16xi32>
    %gather3A_159 = tpu.vector_load_idx %arg8[%add3A_158] : memref<32xi32, #tpu.memory_space<vmem>>[vector<16xi32>], vector<16xi32>,
    %add3A_160 = arith.addi %mul3A_19, %gather3A_159 : vector<16xi32>
    %swap3A_161 = arith.constant 48 : index
    %swap3A_162 = tpu.vector_load %arg11[%swap3A_161] {strides = array<i32>} : memref<128xi32, #tpu.memory_space<vmem>>, vector<16xi32>,
    tpu.vector_store %arg11[%swap3A_161], %add3A_160 {strides = array<i32>} : memref<128xi32, #tpu.memory_space<vmem>>, vector<16xi32>,
    %shift_right_arithmetic3A_163 = arith.constant 3 : i32
    %shift_right_arithmetic3A_164 = vector.broadcast %shift_right_arithmetic3A_163 : i32 to vector<16xi32>
    %shift_right_arithmetic3A_165 = arith.shrsi %iota3A, %shift_right_arithmetic3A_164 : vector<16xi32>
    %add3A_166 = arith.constant 8 : i32
    %add3A_167 = vector.broadcast %add3A_166 : i32 to vector<16xi32>
    %add3A_168 = arith.addi %shift_right_arithmetic3A_165, %add3A_167 : vector<16xi32>
    %add3A_169 = arith.constant 16 : i32
    %add3A_170 = vector.broadcast %add3A_169 : i32 to vector<16xi32>
    %add3A_171 = arith.addi %add3A_168, %add3A_170 : vector<16xi32>
    %gather3A_172 = tpu.vector_load_idx %arg8[%add3A_171] : memref<32xi32, #tpu.memory_space<vmem>>[vector<16xi32>], vector<16xi32>,
    %add3A_173 = arith.addi %mul3A_19, %gather3A_172 : vector<16xi32>
    %swap3A_174 = arith.constant 64 : index
    %swap3A_175 = tpu.vector_load %arg11[%swap3A_174] {strides = array<i32>} : memref<128xi32, #tpu.memory_space<vmem>>, vector<16xi32>,
    tpu.vector_store %arg11[%swap3A_174], %add3A_173 {strides = array<i32>} : memref<128xi32, #tpu.memory_space<vmem>>, vector<16xi32>,
    %shift_right_arithmetic3A_176 = arith.constant 3 : i32
    %shift_right_arithmetic3A_177 = vector.broadcast %shift_right_arithmetic3A_176 : i32 to vector<16xi32>
    %shift_right_arithmetic3A_178 = arith.shrsi %iota3A, %shift_right_arithmetic3A_177 : vector<16xi32>
    %add3A_179 = arith.constant 10 : i32
    %add3A_180 = vector.broadcast %add3A_179 : i32 to vector<16xi32>
    %add3A_181 = arith.addi %shift_right_arithmetic3A_178, %add3A_180 : vector<16xi32>
    %add3A_182 = arith.constant 16 : i32
    %add3A_183 = vector.broadcast %add3A_182 : i32 to vector<16xi32>
    %add3A_184 = arith.addi %add3A_181, %add3A_183 : vector<16xi32>
    %gather3A_185 = tpu.vector_load_idx %arg8[%add3A_184] : memref<32xi32, #tpu.memory_space<vmem>>[vector<16xi32>], vector<16xi32>,
    %add3A_186 = arith.addi %mul3A_19, %gather3A_185 : vector<16xi32>
    %swap3A_187 = arith.constant 80 : index
    %swap3A_188 = tpu.vector_load %arg11[%swap3A_187] {strides = array<i32>} : memref<128xi32, #tpu.memory_space<vmem>>, vector<16xi32>,
    tpu.vector_store %arg11[%swap3A_187], %add3A_186 {strides = array<i32>} : memref<128xi32, #tpu.memory_space<vmem>>, vector<16xi32>,
    %shift_right_arithmetic3A_189 = arith.constant 3 : i32
    %shift_right_arithmetic3A_190 = vector.broadcast %shift_right_arithmetic3A_189 : i32 to vector<16xi32>
    %shift_right_arithmetic3A_191 = arith.shrsi %iota3A, %shift_right_arithmetic3A_190 : vector<16xi32>
    %add3A_192 = arith.constant 12 : i32
    %add3A_193 = vector.broadcast %add3A_192 : i32 to vector<16xi32>
    %add3A_194 = arith.addi %shift_right_arithmetic3A_191, %add3A_193 : vector<16xi32>
    %add3A_195 = arith.constant 16 : i32
    %add3A_196 = vector.broadcast %add3A_195 : i32 to vector<16xi32>
    %add3A_197 = arith.addi %add3A_194, %add3A_196 : vector<16xi32>
    %gather3A_198 = tpu.vector_load_idx %arg8[%add3A_197] : memref<32xi32, #tpu.memory_space<vmem>>[vector<16xi32>], vector<16xi32>,
    %add3A_199 = arith.addi %mul3A_19, %gather3A_198 : vector<16xi32>
    %swap3A_200 = arith.constant 96 : index
    %swap3A_201 = tpu.vector_load %arg11[%swap3A_200] {strides = array<i32>} : memref<128xi32, #tpu.memory_space<vmem>>, vector<16xi32>,
    tpu.vector_store %arg11[%swap3A_200], %add3A_199 {strides = array<i32>} : memref<128xi32, #tpu.memory_space<vmem>>, vector<16xi32>,
    %shift_right_arithmetic3A_202 = arith.constant 3 : i32
    %shift_right_arithmetic3A_203 = vector.broadcast %shift_right_arithmetic3A_202 : i32 to vector<16xi32>
    %shift_right_arithmetic3A_204 = arith.shrsi %iota3A, %shift_right_arithmetic3A_203 : vector<16xi32>
    %add3A_205 = arith.constant 14 : i32
    %add3A_206 = vector.broadcast %add3A_205 : i32 to vector<16xi32>
    %add3A_207 = arith.addi %shift_right_arithmetic3A_204, %add3A_206 : vector<16xi32>
    %add3A_208 = arith.constant 16 : i32
    %add3A_209 = vector.broadcast %add3A_208 : i32 to vector<16xi32>
    %add3A_210 = arith.addi %add3A_207, %add3A_209 : vector<16xi32>
    %gather3A_211 = tpu.vector_load_idx %arg8[%add3A_210] : memref<32xi32, #tpu.memory_space<vmem>>[vector<16xi32>], vector<16xi32>,
    %add3A_212 = arith.addi %mul3A_19, %gather3A_211 : vector<16xi32>
    %swap3A_213 = arith.constant 112 : index
    %swap3A_214 = tpu.vector_load %arg11[%swap3A_213] {strides = array<i32>} : memref<128xi32, #tpu.memory_space<vmem>>, vector<16xi32>,
    tpu.vector_store %arg11[%swap3A_213], %add3A_212 {strides = array<i32>} : memref<128xi32, #tpu.memory_space<vmem>>, vector<16xi32>,
    %dma_start3A_215 = arith.constant 0 : i32
    %dma_start3A_216 = arith.constant 0 : i32
    %dma_start3A_217 = tpu.memref_slice %arg2[%dma_start3A_215, %dma_start3A_216] : memref<8000x128xf32, #tpu.memory_space<hbm>> -> memref<8000x128xf32, #tpu.memory_space<hbm>>
    tpu.enqueue_indirect_dma source(%dma_start3A_217 : memref<8000x128xf32, #tpu.memory_space<hbm>>) target(%arg15 : memref<128x128xf32, #tpu.memory_space<vmem>>) offsets(%arg11 : memref<128xi32, #tpu.memory_space<vmem>>) semaphore(%arg19 : memref<!tpu.dma_semaphore, #tpu.memory_space<semaphore_mem>>)
    "tpu.region"() ({
      %run_scoped3A = tpu.sem_alloc : memref<!tpu.dma_semaphore, #tpu.memory_space<semaphore_mem>>
      %dma_start3A_289 = tpu.memref_slice %arg4[%mul3A_2] : memref<1024xi32, #tpu.memory_space<hbm>> -> memref<32xi32, #tpu.memory_space<hbm>>
      %dma_start3A_290 = tpu.memref_slice %arg4[%mul3A_2] : memref<1024xi32, #tpu.memory_space<hbm>> -> memref<32xi32, #tpu.memory_space<hbm>>
      tpu.enqueue_dma source(%dma_start3A_290 : memref<32xi32, #tpu.memory_space<hbm>>) target(%arg9 : memref<32xi32, #tpu.memory_space<vmem>>) target_semaphore(%run_scoped3A : memref<!tpu.dma_semaphore, #tpu.memory_space<semaphore_mem>>)
      %dma_wait3A_291 = tpu.memref_slice %arg4[%mul3A_2] : memref<1024xi32, #tpu.memory_space<hbm>> -> memref<32xi32, #tpu.memory_space<hbm>>
      %dma_wait3A_292 = tpu.memref_slice %arg4[%mul3A_2] : memref<1024xi32, #tpu.memory_space<hbm>> -> memref<32xi32, #tpu.memory_space<hbm>>
      tpu.wait_dma2 semaphore(%run_scoped3A : memref<!tpu.dma_semaphore, #tpu.memory_space<semaphore_mem>>) src(%dma_wait3A_292 : memref<32xi32, #tpu.memory_space<hbm>>) dst(%arg9 : memref<32xi32, #tpu.memory_space<vmem>>)
      tpu.yield
    }) : () -> ()
    %mul3A_218 = arith.constant 8 : i32
    %mul3A_219 = vector.broadcast %mul3A_218 : i32 to vector<16xi32>
    %mul3A_220 = arith.muli %iota3A, %mul3A_219 : vector<16xi32>
    %dma_wait3A = arith.constant 0 : i32
    %dma_wait3A_221 = arith.constant 0 : i32
    %dma_wait3A_222 = tpu.memref_slice %arg5[%dma_wait3A, %shift_right_arithmetic3A_3, %dma_wait3A_221, %mul3A_6] : memref<125x8x8x128xi32, #tpu.memory_space<hbm>> -> memref<125x1x8x16xi32, #tpu.memory_space<hbm>>
    %dma_wait3A_223 = tpu.memref_squeeze %dma_wait3A_222 : memref<125x1x8x16xi32, #tpu.memory_space<hbm>> -> memref<125x8x16xi32, #tpu.memory_space<hbm>>
    %dma_wait3A_224 = arith.constant 0 : i32
    %dma_wait3A_225 = arith.constant 0 : i32
    %dma_wait3A_226 = tpu.memref_slice %arg5[%dma_wait3A_224, %shift_right_arithmetic3A_3, %dma_wait3A_225, %mul3A_6] : memref<125x8x8x128xi32, #tpu.memory_space<hbm>> -> memref<125x1x8x16xi32, #tpu.memory_space<hbm>>
    %dma_wait3A_227 = tpu.memref_squeeze %dma_wait3A_226 : memref<125x1x8x16xi32, #tpu.memory_space<hbm>> -> memref<125x8x16xi32, #tpu.memory_space<hbm>>
    tpu.wait_dma2 semaphore(%arg20 : memref<!tpu.dma_semaphore, #tpu.memory_space<semaphore_mem>>) src(%dma_wait3A_227 : memref<125x8x16xi32, #tpu.memory_space<hbm>>) dst(%arg12 : memref<125x8x16xi32, #tpu.memory_space<vmem>>)
    %dma_wait3A_228 = arith.constant 0 : i32
    %dma_wait3A_229 = arith.constant 0 : i32
    %dma_wait3A_230 = tpu.memref_slice %arg2[%dma_wait3A_228, %dma_wait3A_229] : memref<8000x128xf32, #tpu.memory_space<hbm>> -> memref<8000x128xf32, #tpu.memory_space<hbm>>
    tpu.wait_indirect_dma semaphore(%arg18 : memref<!tpu.dma_semaphore, #tpu.memory_space<semaphore_mem>>) src(%dma_wait3A_230 : memref<8000x128xf32, #tpu.memory_space<hbm>>) dst(%arg14 : memref<128x128xf32, #tpu.memory_space<vmem>>)
    %broadcast_in_dim3A = arith.constant 0.000000e+00 : f32
    %broadcast_in_dim3A_231 = vector.broadcast %broadcast_in_dim3A : f32 to vector<16xf32>
    %scan3A = arith.constant 0 : i32
    %scan3A_232 = arith.constant 125 : i32
    %scan3A_233 = arith.addi %scan3A, %scan3A_232 : i32
    %scan3A_234 = arith.constant 1 : i32
    %scan3A_235 = scf.for %scan3A_289 = %scan3A to %scan3A_233 step %scan3A_234 iter_args(%scan3A_290 = %broadcast_in_dim3A_231) -> (vector<16xf32>)  : i32 {
      %get3A_291 = arith.constant 0 : i32
      %get3A_292 = arith.index_cast %scan3A_289 : i32 to index
      %get3A_293 = arith.index_cast %get3A_291 : i32 to index
      %get3A_294 = arith.constant 0 : index
      %get3A_295 = tpu.vector_load %arg12[%get3A_292, %get3A_293, %get3A_294] {strides = array<i32>} : memref<125x8x16xi32, #tpu.memory_space<vmem>>, vector<16xi32>,
      %shift_right_arithmetic3A_296 = arith.constant 7 : i32
      %shift_right_arithmetic3A_297 = vector.broadcast %shift_right_arithmetic3A_296 : i32 to vector<16xi32>
      %shift_right_arithmetic3A_298 = arith.shrsi %get3A_295, %shift_right_arithmetic3A_297 : vector<16xi32>
      %add3A_299 = arith.addi %mul3A_220, %shift_right_arithmetic3A_298 : vector<16xi32>
      %and3A_300 = arith.constant 127 : i32
      %and3A_301 = vector.broadcast %and3A_300 : i32 to vector<16xi32>
      %and3A_302 = arith.andi %get3A_295, %and3A_301 : vector<16xi32>
      %gather3A_303 = tpu.vector_load_idx %arg14[%add3A_299, %and3A_302] : memref<128x128xf32, #tpu.memory_space<vmem>>[vector<16xi32>, vector<16xi32>], vector<16xf32>,
      %add3A_304 = arith.addf %scan3A_290, %gather3A_303 : vector<16xf32>
      %get3A_305 = arith.constant 1 : i32
      %get3A_306 = arith.index_cast %scan3A_289 : i32 to index
      %get3A_307 = arith.index_cast %get3A_305 : i32 to index
      %get3A_308 = arith.constant 0 : index
      %get3A_309 = tpu.vector_load %arg12[%get3A_306, %get3A_307, %get3A_308] {strides = array<i32>} : memref<125x8x16xi32, #tpu.memory_space<vmem>>, vector<16xi32>,
      %shift_right_arithmetic3A_310 = arith.constant 7 : i32
      %shift_right_arithmetic3A_311 = vector.broadcast %shift_right_arithmetic3A_310 : i32 to vector<16xi32>
      %shift_right_arithmetic3A_312 = arith.shrsi %get3A_309, %shift_right_arithmetic3A_311 : vector<16xi32>
      %add3A_313 = arith.addi %mul3A_220, %shift_right_arithmetic3A_312 : vector<16xi32>
      %and3A_314 = arith.constant 127 : i32
      %and3A_315 = vector.broadcast %and3A_314 : i32 to vector<16xi32>
      %and3A_316 = arith.andi %get3A_309, %and3A_315 : vector<16xi32>
      %gather3A_317 = tpu.vector_load_idx %arg14[%add3A_313, %and3A_316] : memref<128x128xf32, #tpu.memory_space<vmem>>[vector<16xi32>, vector<16xi32>], vector<16xf32>,
      %add3A_318 = arith.addf %add3A_304, %gather3A_317 : vector<16xf32>
      %get3A_319 = arith.constant 2 : i32
      %get3A_320 = arith.index_cast %scan3A_289 : i32 to index
      %get3A_321 = arith.index_cast %get3A_319 : i32 to index
      %get3A_322 = arith.constant 0 : index
      %get3A_323 = tpu.vector_load %arg12[%get3A_320, %get3A_321, %get3A_322] {strides = array<i32>} : memref<125x8x16xi32, #tpu.memory_space<vmem>>, vector<16xi32>,
      %shift_right_arithmetic3A_324 = arith.constant 7 : i32
      %shift_right_arithmetic3A_325 = vector.broadcast %shift_right_arithmetic3A_324 : i32 to vector<16xi32>
      %shift_right_arithmetic3A_326 = arith.shrsi %get3A_323, %shift_right_arithmetic3A_325 : vector<16xi32>
      %add3A_327 = arith.addi %mul3A_220, %shift_right_arithmetic3A_326 : vector<16xi32>
      %and3A_328 = arith.constant 127 : i32
      %and3A_329 = vector.broadcast %and3A_328 : i32 to vector<16xi32>
      %and3A_330 = arith.andi %get3A_323, %and3A_329 : vector<16xi32>
      %gather3A_331 = tpu.vector_load_idx %arg14[%add3A_327, %and3A_330] : memref<128x128xf32, #tpu.memory_space<vmem>>[vector<16xi32>, vector<16xi32>], vector<16xf32>,
      %add3A_332 = arith.addf %add3A_318, %gather3A_331 : vector<16xf32>
      %get3A_333 = arith.constant 3 : i32
      %get3A_334 = arith.index_cast %scan3A_289 : i32 to index
      %get3A_335 = arith.index_cast %get3A_333 : i32 to index
      %get3A_336 = arith.constant 0 : index
      %get3A_337 = tpu.vector_load %arg12[%get3A_334, %get3A_335, %get3A_336] {strides = array<i32>} : memref<125x8x16xi32, #tpu.memory_space<vmem>>, vector<16xi32>,
      %shift_right_arithmetic3A_338 = arith.constant 7 : i32
      %shift_right_arithmetic3A_339 = vector.broadcast %shift_right_arithmetic3A_338 : i32 to vector<16xi32>
      %shift_right_arithmetic3A_340 = arith.shrsi %get3A_337, %shift_right_arithmetic3A_339 : vector<16xi32>
      %add3A_341 = arith.addi %mul3A_220, %shift_right_arithmetic3A_340 : vector<16xi32>
      %and3A_342 = arith.constant 127 : i32
      %and3A_343 = vector.broadcast %and3A_342 : i32 to vector<16xi32>
      %and3A_344 = arith.andi %get3A_337, %and3A_343 : vector<16xi32>
      %gather3A_345 = tpu.vector_load_idx %arg14[%add3A_341, %and3A_344] : memref<128x128xf32, #tpu.memory_space<vmem>>[vector<16xi32>, vector<16xi32>], vector<16xf32>,
      %add3A_346 = arith.addf %add3A_332, %gather3A_345 : vector<16xf32>
      %get3A_347 = arith.constant 4 : i32
      %get3A_348 = arith.index_cast %scan3A_289 : i32 to index
      %get3A_349 = arith.index_cast %get3A_347 : i32 to index
      %get3A_350 = arith.constant 0 : index
      %get3A_351 = tpu.vector_load %arg12[%get3A_348, %get3A_349, %get3A_350] {strides = array<i32>} : memref<125x8x16xi32, #tpu.memory_space<vmem>>, vector<16xi32>,
      %shift_right_arithmetic3A_352 = arith.constant 7 : i32
      %shift_right_arithmetic3A_353 = vector.broadcast %shift_right_arithmetic3A_352 : i32 to vector<16xi32>
      %shift_right_arithmetic3A_354 = arith.shrsi %get3A_351, %shift_right_arithmetic3A_353 : vector<16xi32>
      %add3A_355 = arith.addi %mul3A_220, %shift_right_arithmetic3A_354 : vector<16xi32>
      %and3A_356 = arith.constant 127 : i32
      %and3A_357 = vector.broadcast %and3A_356 : i32 to vector<16xi32>
      %and3A_358 = arith.andi %get3A_351, %and3A_357 : vector<16xi32>
      %gather3A_359 = tpu.vector_load_idx %arg14[%add3A_355, %and3A_358] : memref<128x128xf32, #tpu.memory_space<vmem>>[vector<16xi32>, vector<16xi32>], vector<16xf32>,
      %add3A_360 = arith.addf %add3A_346, %gather3A_359 : vector<16xf32>
      %get3A_361 = arith.constant 5 : i32
      %get3A_362 = arith.index_cast %scan3A_289 : i32 to index
      %get3A_363 = arith.index_cast %get3A_361 : i32 to index
      %get3A_364 = arith.constant 0 : index
      %get3A_365 = tpu.vector_load %arg12[%get3A_362, %get3A_363, %get3A_364] {strides = array<i32>} : memref<125x8x16xi32, #tpu.memory_space<vmem>>, vector<16xi32>,
      %shift_right_arithmetic3A_366 = arith.constant 7 : i32
      %shift_right_arithmetic3A_367 = vector.broadcast %shift_right_arithmetic3A_366 : i32 to vector<16xi32>
      %shift_right_arithmetic3A_368 = arith.shrsi %get3A_365, %shift_right_arithmetic3A_367 : vector<16xi32>
      %add3A_369 = arith.addi %mul3A_220, %shift_right_arithmetic3A_368 : vector<16xi32>
      %and3A_370 = arith.constant 127 : i32
      %and3A_371 = vector.broadcast %and3A_370 : i32 to vector<16xi32>
      %and3A_372 = arith.andi %get3A_365, %and3A_371 : vector<16xi32>
      %gather3A_373 = tpu.vector_load_idx %arg14[%add3A_369, %and3A_372] : memref<128x128xf32, #tpu.memory_space<vmem>>[vector<16xi32>, vector<16xi32>], vector<16xf32>,
      %add3A_374 = arith.addf %add3A_360, %gather3A_373 : vector<16xf32>
      %get3A_375 = arith.constant 6 : i32
      %get3A_376 = arith.index_cast %scan3A_289 : i32 to index
      %get3A_377 = arith.index_cast %get3A_375 : i32 to index
      %get3A_378 = arith.constant 0 : index
      %get3A_379 = tpu.vector_load %arg12[%get3A_376, %get3A_377, %get3A_378] {strides = array<i32>} : memref<125x8x16xi32, #tpu.memory_space<vmem>>, vector<16xi32>,
      %shift_right_arithmetic3A_380 = arith.constant 7 : i32
      %shift_right_arithmetic3A_381 = vector.broadcast %shift_right_arithmetic3A_380 : i32 to vector<16xi32>
      %shift_right_arithmetic3A_382 = arith.shrsi %get3A_379, %shift_right_arithmetic3A_381 : vector<16xi32>
      %add3A_383 = arith.addi %mul3A_220, %shift_right_arithmetic3A_382 : vector<16xi32>
      %and3A_384 = arith.constant 127 : i32
      %and3A_385 = vector.broadcast %and3A_384 : i32 to vector<16xi32>
      %and3A_386 = arith.andi %get3A_379, %and3A_385 : vector<16xi32>
      %gather3A_387 = tpu.vector_load_idx %arg14[%add3A_383, %and3A_386] : memref<128x128xf32, #tpu.memory_space<vmem>>[vector<16xi32>, vector<16xi32>], vector<16xf32>,
      %add3A_388 = arith.addf %add3A_374, %gather3A_387 : vector<16xf32>
      %get3A_389 = arith.constant 7 : i32
      %get3A_390 = arith.index_cast %scan3A_289 : i32 to index
      %get3A_391 = arith.index_cast %get3A_389 : i32 to index
      %get3A_392 = arith.constant 0 : index
      %get3A_393 = tpu.vector_load %arg12[%get3A_390, %get3A_391, %get3A_392] {strides = array<i32>} : memref<125x8x16xi32, #tpu.memory_space<vmem>>, vector<16xi32>,
      %shift_right_arithmetic3A_394 = arith.constant 7 : i32
      %shift_right_arithmetic3A_395 = vector.broadcast %shift_right_arithmetic3A_394 : i32 to vector<16xi32>
      %shift_right_arithmetic3A_396 = arith.shrsi %get3A_393, %shift_right_arithmetic3A_395 : vector<16xi32>
      %add3A_397 = arith.addi %mul3A_220, %shift_right_arithmetic3A_396 : vector<16xi32>
      %and3A_398 = arith.constant 127 : i32
      %and3A_399 = vector.broadcast %and3A_398 : i32 to vector<16xi32>
      %and3A_400 = arith.andi %get3A_393, %and3A_399 : vector<16xi32>
      %gather3A_401 = tpu.vector_load_idx %arg14[%add3A_397, %and3A_400] : memref<128x128xf32, #tpu.memory_space<vmem>>[vector<16xi32>, vector<16xi32>], vector<16xf32>,
      %add3A_402 = arith.addf %add3A_388, %gather3A_401 : vector<16xf32>
      scf.yield %add3A_402 : vector<16xf32>
    }
    %scan3A_236 = arith.constant 125 : i32
    %swap3A_237 = arith.constant 0 : index
    %swap3A_238 = tpu.vector_load %arg16[%swap3A_237] {strides = array<i32>} : memref<32xf32, #tpu.memory_space<vmem>>, vector<16xf32>,
    tpu.vector_store %arg16[%swap3A_237], %scan3A_235 {strides = array<i32>} : memref<32xf32, #tpu.memory_space<vmem>>, vector<16xf32>,
    %get3A = arith.constant 0 : index
    %get3A_239 = tpu.vector_load %arg9[%get3A] {strides = array<i32>} : memref<32xi32, #tpu.memory_space<vmem>>, vector<16xi32>,
    %mul3A_240 = arith.constant 8 : i32
    %mul3A_241 = vector.broadcast %mul3A_240 : i32 to vector<16xi32>
    %mul3A_242 = arith.muli %iota3A, %mul3A_241 : vector<16xi32>
    %shift_right_arithmetic3A_243 = arith.constant 7 : i32
    %shift_right_arithmetic3A_244 = vector.broadcast %shift_right_arithmetic3A_243 : i32 to vector<16xi32>
    %shift_right_arithmetic3A_245 = arith.shrsi %get3A_239, %shift_right_arithmetic3A_244 : vector<16xi32>
    %add3A_246 = arith.addi %mul3A_242, %shift_right_arithmetic3A_245 : vector<16xi32>
    %and3A_247 = arith.constant 127 : i32
    %and3A_248 = vector.broadcast %and3A_247 : i32 to vector<16xi32>
    %and3A_249 = arith.andi %get3A_239, %and3A_248 : vector<16xi32>
    %gather3A_250 = tpu.vector_load_idx %arg14[%add3A_246, %and3A_249] : memref<128x128xf32, #tpu.memory_space<vmem>>[vector<16xi32>, vector<16xi32>], vector<16xf32>,
    %swap3A_251 = arith.constant 0 : index
    %swap3A_252 = tpu.vector_load %arg17[%swap3A_251] {strides = array<i32>} : memref<32xf32, #tpu.memory_space<vmem>>, vector<16xf32>,
    tpu.vector_store %arg17[%swap3A_251], %gather3A_250 {strides = array<i32>} : memref<32xf32, #tpu.memory_space<vmem>>, vector<16xf32>,
    %dma_wait3A_253 = arith.constant 0 : i32
    %dma_wait3A_254 = arith.constant 0 : i32
    %dma_wait3A_255 = tpu.memref_slice %arg5[%dma_wait3A_253, %shift_right_arithmetic3A_3, %dma_wait3A_254, %add3A_102] : memref<125x8x8x128xi32, #tpu.memory_space<hbm>> -> memref<125x1x8x16xi32, #tpu.memory_space<hbm>>
    %dma_wait3A_256 = tpu.memref_squeeze %dma_wait3A_255 : memref<125x1x8x16xi32, #tpu.memory_space<hbm>> -> memref<125x8x16xi32, #tpu.memory_space<hbm>>
    %dma_wait3A_257 = arith.constant 0 : i32
    %dma_wait3A_258 = arith.constant 0 : i32
    %dma_wait3A_259 = tpu.memref_slice %arg5[%dma_wait3A_257, %shift_right_arithmetic3A_3, %dma_wait3A_258, %add3A_102] : memref<125x8x8x128xi32, #tpu.memory_space<hbm>> -> memref<125x1x8x16xi32, #tpu.memory_space<hbm>>
    %dma_wait3A_260 = tpu.memref_squeeze %dma_wait3A_259 : memref<125x1x8x16xi32, #tpu.memory_space<hbm>> -> memref<125x8x16xi32, #tpu.memory_space<hbm>>
    tpu.wait_dma2 semaphore(%arg21 : memref<!tpu.dma_semaphore, #tpu.memory_space<semaphore_mem>>) src(%dma_wait3A_260 : memref<125x8x16xi32, #tpu.memory_space<hbm>>) dst(%arg13 : memref<125x8x16xi32, #tpu.memory_space<vmem>>)
    %dma_wait3A_261 = arith.constant 0 : i32
    %dma_wait3A_262 = arith.constant 0 : i32
    %dma_wait3A_263 = tpu.memref_slice %arg2[%dma_wait3A_261, %dma_wait3A_262] : memref<8000x128xf32, #tpu.memory_space<hbm>> -> memref<8000x128xf32, #tpu.memory_space<hbm>>
    tpu.wait_indirect_dma semaphore(%arg19 : memref<!tpu.dma_semaphore, #tpu.memory_space<semaphore_mem>>) src(%dma_wait3A_263 : memref<8000x128xf32, #tpu.memory_space<hbm>>) dst(%arg15 : memref<128x128xf32, #tpu.memory_space<vmem>>)
    %broadcast_in_dim3A_264 = arith.constant 0.000000e+00 : f32
    %broadcast_in_dim3A_265 = vector.broadcast %broadcast_in_dim3A_264 : f32 to vector<16xf32>
    %scan3A_266 = arith.constant 0 : i32
    %scan3A_267 = arith.constant 125 : i32
    %scan3A_268 = arith.addi %scan3A_266, %scan3A_267 : i32
    %scan3A_269 = arith.constant 1 : i32
    %scan3A_270 = scf.for %scan3A_289 = %scan3A_266 to %scan3A_268 step %scan3A_269 iter_args(%scan3A_290 = %broadcast_in_dim3A_265) -> (vector<16xf32>)  : i32 {
      %get3A_291 = arith.constant 0 : i32
      %get3A_292 = arith.index_cast %scan3A_289 : i32 to index
      %get3A_293 = arith.index_cast %get3A_291 : i32 to index
      %get3A_294 = arith.constant 0 : index
      %get3A_295 = tpu.vector_load %arg13[%get3A_292, %get3A_293, %get3A_294] {strides = array<i32>} : memref<125x8x16xi32, #tpu.memory_space<vmem>>, vector<16xi32>,
      %shift_right_arithmetic3A_296 = arith.constant 7 : i32
      %shift_right_arithmetic3A_297 = vector.broadcast %shift_right_arithmetic3A_296 : i32 to vector<16xi32>
      %shift_right_arithmetic3A_298 = arith.shrsi %get3A_295, %shift_right_arithmetic3A_297 : vector<16xi32>
      %add3A_299 = arith.addi %mul3A_220, %shift_right_arithmetic3A_298 : vector<16xi32>
      %and3A_300 = arith.constant 127 : i32
      %and3A_301 = vector.broadcast %and3A_300 : i32 to vector<16xi32>
      %and3A_302 = arith.andi %get3A_295, %and3A_301 : vector<16xi32>
      %gather3A_303 = tpu.vector_load_idx %arg15[%add3A_299, %and3A_302] : memref<128x128xf32, #tpu.memory_space<vmem>>[vector<16xi32>, vector<16xi32>], vector<16xf32>,
      %add3A_304 = arith.addf %scan3A_290, %gather3A_303 : vector<16xf32>
      %get3A_305 = arith.constant 1 : i32
      %get3A_306 = arith.index_cast %scan3A_289 : i32 to index
      %get3A_307 = arith.index_cast %get3A_305 : i32 to index
      %get3A_308 = arith.constant 0 : index
      %get3A_309 = tpu.vector_load %arg13[%get3A_306, %get3A_307, %get3A_308] {strides = array<i32>} : memref<125x8x16xi32, #tpu.memory_space<vmem>>, vector<16xi32>,
      %shift_right_arithmetic3A_310 = arith.constant 7 : i32
      %shift_right_arithmetic3A_311 = vector.broadcast %shift_right_arithmetic3A_310 : i32 to vector<16xi32>
      %shift_right_arithmetic3A_312 = arith.shrsi %get3A_309, %shift_right_arithmetic3A_311 : vector<16xi32>
      %add3A_313 = arith.addi %mul3A_220, %shift_right_arithmetic3A_312 : vector<16xi32>
      %and3A_314 = arith.constant 127 : i32
      %and3A_315 = vector.broadcast %and3A_314 : i32 to vector<16xi32>
      %and3A_316 = arith.andi %get3A_309, %and3A_315 : vector<16xi32>
      %gather3A_317 = tpu.vector_load_idx %arg15[%add3A_313, %and3A_316] : memref<128x128xf32, #tpu.memory_space<vmem>>[vector<16xi32>, vector<16xi32>], vector<16xf32>,
      %add3A_318 = arith.addf %add3A_304, %gather3A_317 : vector<16xf32>
      %get3A_319 = arith.constant 2 : i32
      %get3A_320 = arith.index_cast %scan3A_289 : i32 to index
      %get3A_321 = arith.index_cast %get3A_319 : i32 to index
      %get3A_322 = arith.constant 0 : index
      %get3A_323 = tpu.vector_load %arg13[%get3A_320, %get3A_321, %get3A_322] {strides = array<i32>} : memref<125x8x16xi32, #tpu.memory_space<vmem>>, vector<16xi32>,
      %shift_right_arithmetic3A_324 = arith.constant 7 : i32
      %shift_right_arithmetic3A_325 = vector.broadcast %shift_right_arithmetic3A_324 : i32 to vector<16xi32>
      %shift_right_arithmetic3A_326 = arith.shrsi %get3A_323, %shift_right_arithmetic3A_325 : vector<16xi32>
      %add3A_327 = arith.addi %mul3A_220, %shift_right_arithmetic3A_326 : vector<16xi32>
      %and3A_328 = arith.constant 127 : i32
      %and3A_329 = vector.broadcast %and3A_328 : i32 to vector<16xi32>
      %and3A_330 = arith.andi %get3A_323, %and3A_329 : vector<16xi32>
      %gather3A_331 = tpu.vector_load_idx %arg15[%add3A_327, %and3A_330] : memref<128x128xf32, #tpu.memory_space<vmem>>[vector<16xi32>, vector<16xi32>], vector<16xf32>,
      %add3A_332 = arith.addf %add3A_318, %gather3A_331 : vector<16xf32>
      %get3A_333 = arith.constant 3 : i32
      %get3A_334 = arith.index_cast %scan3A_289 : i32 to index
      %get3A_335 = arith.index_cast %get3A_333 : i32 to index
      %get3A_336 = arith.constant 0 : index
      %get3A_337 = tpu.vector_load %arg13[%get3A_334, %get3A_335, %get3A_336] {strides = array<i32>} : memref<125x8x16xi32, #tpu.memory_space<vmem>>, vector<16xi32>,
      %shift_right_arithmetic3A_338 = arith.constant 7 : i32
      %shift_right_arithmetic3A_339 = vector.broadcast %shift_right_arithmetic3A_338 : i32 to vector<16xi32>
      %shift_right_arithmetic3A_340 = arith.shrsi %get3A_337, %shift_right_arithmetic3A_339 : vector<16xi32>
      %add3A_341 = arith.addi %mul3A_220, %shift_right_arithmetic3A_340 : vector<16xi32>
      %and3A_342 = arith.constant 127 : i32
      %and3A_343 = vector.broadcast %and3A_342 : i32 to vector<16xi32>
      %and3A_344 = arith.andi %get3A_337, %and3A_343 : vector<16xi32>
      %gather3A_345 = tpu.vector_load_idx %arg15[%add3A_341, %and3A_344] : memref<128x128xf32, #tpu.memory_space<vmem>>[vector<16xi32>, vector<16xi32>], vector<16xf32>,
      %add3A_346 = arith.addf %add3A_332, %gather3A_345 : vector<16xf32>
      %get3A_347 = arith.constant 4 : i32
      %get3A_348 = arith.index_cast %scan3A_289 : i32 to index
      %get3A_349 = arith.index_cast %get3A_347 : i32 to index
      %get3A_350 = arith.constant 0 : index
      %get3A_351 = tpu.vector_load %arg13[%get3A_348, %get3A_349, %get3A_350] {strides = array<i32>} : memref<125x8x16xi32, #tpu.memory_space<vmem>>, vector<16xi32>,
      %shift_right_arithmetic3A_352 = arith.constant 7 : i32
      %shift_right_arithmetic3A_353 = vector.broadcast %shift_right_arithmetic3A_352 : i32 to vector<16xi32>
      %shift_right_arithmetic3A_354 = arith.shrsi %get3A_351, %shift_right_arithmetic3A_353 : vector<16xi32>
      %add3A_355 = arith.addi %mul3A_220, %shift_right_arithmetic3A_354 : vector<16xi32>
      %and3A_356 = arith.constant 127 : i32
      %and3A_357 = vector.broadcast %and3A_356 : i32 to vector<16xi32>
      %and3A_358 = arith.andi %get3A_351, %and3A_357 : vector<16xi32>
      %gather3A_359 = tpu.vector_load_idx %arg15[%add3A_355, %and3A_358] : memref<128x128xf32, #tpu.memory_space<vmem>>[vector<16xi32>, vector<16xi32>], vector<16xf32>,
      %add3A_360 = arith.addf %add3A_346, %gather3A_359 : vector<16xf32>
      %get3A_361 = arith.constant 5 : i32
      %get3A_362 = arith.index_cast %scan3A_289 : i32 to index
      %get3A_363 = arith.index_cast %get3A_361 : i32 to index
      %get3A_364 = arith.constant 0 : index
      %get3A_365 = tpu.vector_load %arg13[%get3A_362, %get3A_363, %get3A_364] {strides = array<i32>} : memref<125x8x16xi32, #tpu.memory_space<vmem>>, vector<16xi32>,
      %shift_right_arithmetic3A_366 = arith.constant 7 : i32
      %shift_right_arithmetic3A_367 = vector.broadcast %shift_right_arithmetic3A_366 : i32 to vector<16xi32>
      %shift_right_arithmetic3A_368 = arith.shrsi %get3A_365, %shift_right_arithmetic3A_367 : vector<16xi32>
      %add3A_369 = arith.addi %mul3A_220, %shift_right_arithmetic3A_368 : vector<16xi32>
      %and3A_370 = arith.constant 127 : i32
      %and3A_371 = vector.broadcast %and3A_370 : i32 to vector<16xi32>
      %and3A_372 = arith.andi %get3A_365, %and3A_371 : vector<16xi32>
      %gather3A_373 = tpu.vector_load_idx %arg15[%add3A_369, %and3A_372] : memref<128x128xf32, #tpu.memory_space<vmem>>[vector<16xi32>, vector<16xi32>], vector<16xf32>,
      %add3A_374 = arith.addf %add3A_360, %gather3A_373 : vector<16xf32>
      %get3A_375 = arith.constant 6 : i32
      %get3A_376 = arith.index_cast %scan3A_289 : i32 to index
      %get3A_377 = arith.index_cast %get3A_375 : i32 to index
      %get3A_378 = arith.constant 0 : index
      %get3A_379 = tpu.vector_load %arg13[%get3A_376, %get3A_377, %get3A_378] {strides = array<i32>} : memref<125x8x16xi32, #tpu.memory_space<vmem>>, vector<16xi32>,
      %shift_right_arithmetic3A_380 = arith.constant 7 : i32
      %shift_right_arithmetic3A_381 = vector.broadcast %shift_right_arithmetic3A_380 : i32 to vector<16xi32>
      %shift_right_arithmetic3A_382 = arith.shrsi %get3A_379, %shift_right_arithmetic3A_381 : vector<16xi32>
      %add3A_383 = arith.addi %mul3A_220, %shift_right_arithmetic3A_382 : vector<16xi32>
      %and3A_384 = arith.constant 127 : i32
      %and3A_385 = vector.broadcast %and3A_384 : i32 to vector<16xi32>
      %and3A_386 = arith.andi %get3A_379, %and3A_385 : vector<16xi32>
      %gather3A_387 = tpu.vector_load_idx %arg15[%add3A_383, %and3A_386] : memref<128x128xf32, #tpu.memory_space<vmem>>[vector<16xi32>, vector<16xi32>], vector<16xf32>,
      %add3A_388 = arith.addf %add3A_374, %gather3A_387 : vector<16xf32>
      %get3A_389 = arith.constant 7 : i32
      %get3A_390 = arith.index_cast %scan3A_289 : i32 to index
      %get3A_391 = arith.index_cast %get3A_389 : i32 to index
      %get3A_392 = arith.constant 0 : index
      %get3A_393 = tpu.vector_load %arg13[%get3A_390, %get3A_391, %get3A_392] {strides = array<i32>} : memref<125x8x16xi32, #tpu.memory_space<vmem>>, vector<16xi32>,
      %shift_right_arithmetic3A_394 = arith.constant 7 : i32
      %shift_right_arithmetic3A_395 = vector.broadcast %shift_right_arithmetic3A_394 : i32 to vector<16xi32>
      %shift_right_arithmetic3A_396 = arith.shrsi %get3A_393, %shift_right_arithmetic3A_395 : vector<16xi32>
      %add3A_397 = arith.addi %mul3A_220, %shift_right_arithmetic3A_396 : vector<16xi32>
      %and3A_398 = arith.constant 127 : i32
      %and3A_399 = vector.broadcast %and3A_398 : i32 to vector<16xi32>
      %and3A_400 = arith.andi %get3A_393, %and3A_399 : vector<16xi32>
      %gather3A_401 = tpu.vector_load_idx %arg15[%add3A_397, %and3A_400] : memref<128x128xf32, #tpu.memory_space<vmem>>[vector<16xi32>, vector<16xi32>], vector<16xf32>,
      %add3A_402 = arith.addf %add3A_388, %gather3A_401 : vector<16xf32>
      scf.yield %add3A_402 : vector<16xf32>
    }
    %scan3A_271 = arith.constant 125 : i32
    %swap3A_272 = arith.constant 16 : index
    %swap3A_273 = tpu.vector_load %arg16[%swap3A_272] {strides = array<i32>} : memref<32xf32, #tpu.memory_space<vmem>>, vector<16xf32>,
    tpu.vector_store %arg16[%swap3A_272], %scan3A_270 {strides = array<i32>} : memref<32xf32, #tpu.memory_space<vmem>>, vector<16xf32>,
    %get3A_274 = arith.constant 16 : index
    %get3A_275 = tpu.vector_load %arg9[%get3A_274] {strides = array<i32>} : memref<32xi32, #tpu.memory_space<vmem>>, vector<16xi32>,
    %mul3A_276 = arith.constant 8 : i32
    %mul3A_277 = vector.broadcast %mul3A_276 : i32 to vector<16xi32>
    %mul3A_278 = arith.muli %iota3A, %mul3A_277 : vector<16xi32>
    %shift_right_arithmetic3A_279 = arith.constant 7 : i32
    %shift_right_arithmetic3A_280 = vector.broadcast %shift_right_arithmetic3A_279 : i32 to vector<16xi32>
    %shift_right_arithmetic3A_281 = arith.shrsi %get3A_275, %shift_right_arithmetic3A_280 : vector<16xi32>
    %add3A_282 = arith.addi %mul3A_278, %shift_right_arithmetic3A_281 : vector<16xi32>
    %and3A_283 = arith.constant 127 : i32
    %and3A_284 = vector.broadcast %and3A_283 : i32 to vector<16xi32>
    %and3A_285 = arith.andi %get3A_275, %and3A_284 : vector<16xi32>
    %gather3A_286 = tpu.vector_load_idx %arg15[%add3A_282, %and3A_285] : memref<128x128xf32, #tpu.memory_space<vmem>>[vector<16xi32>, vector<16xi32>], vector<16xf32>,
    %swap3A_287 = arith.constant 16 : index
    %swap3A_288 = tpu.vector_load %arg17[%swap3A_287] {strides = array<i32>} : memref<32xf32, #tpu.memory_space<vmem>>, vector<16xf32>,
    tpu.vector_store %arg17[%swap3A_287], %gather3A_286 {strides = array<i32>} : memref<32xf32, #tpu.memory_space<vmem>>, vector<16xf32>,
    "tpu.region"() ({
      %run_scoped3A = tpu.sem_alloc : memref<!tpu.dma_semaphore, #tpu.memory_space<semaphore_mem>>
      %dma_start3A_289 = tpu.memref_slice %arg6[%mul3A_2] : memref<1024xf32, #tpu.memory_space<hbm>> -> memref<32xf32, #tpu.memory_space<hbm>>
      %dma_start3A_290 = tpu.memref_slice %arg6[%mul3A_2] : memref<1024xf32, #tpu.memory_space<hbm>> -> memref<32xf32, #tpu.memory_space<hbm>>
      tpu.enqueue_dma source(%arg16 : memref<32xf32, #tpu.memory_space<vmem>>) target(%dma_start3A_290 : memref<32xf32, #tpu.memory_space<hbm>>) target_semaphore(%run_scoped3A : memref<!tpu.dma_semaphore, #tpu.memory_space<semaphore_mem>>)
      %dma_wait3A_291 = tpu.memref_slice %arg6[%mul3A_2] : memref<1024xf32, #tpu.memory_space<hbm>> -> memref<32xf32, #tpu.memory_space<hbm>>
      %dma_wait3A_292 = tpu.memref_slice %arg6[%mul3A_2] : memref<1024xf32, #tpu.memory_space<hbm>> -> memref<32xf32, #tpu.memory_space<hbm>>
      tpu.wait_dma2 semaphore(%run_scoped3A : memref<!tpu.dma_semaphore, #tpu.memory_space<semaphore_mem>>) src(%arg16 : memref<32xf32, #tpu.memory_space<vmem>>) dst(%dma_wait3A_292 : memref<32xf32, #tpu.memory_space<hbm>>)
      tpu.yield
    }) : () -> ()
    "tpu.region"() ({
      %run_scoped3A = tpu.sem_alloc : memref<!tpu.dma_semaphore, #tpu.memory_space<semaphore_mem>>
      %dma_start3A_289 = tpu.memref_slice %arg7[%mul3A_2] : memref<1024xf32, #tpu.memory_space<hbm>> -> memref<32xf32, #tpu.memory_space<hbm>>
      %dma_start3A_290 = tpu.memref_slice %arg7[%mul3A_2] : memref<1024xf32, #tpu.memory_space<hbm>> -> memref<32xf32, #tpu.memory_space<hbm>>
      tpu.enqueue_dma source(%arg17 : memref<32xf32, #tpu.memory_space<vmem>>) target(%dma_start3A_290 : memref<32xf32, #tpu.memory_space<hbm>>) target_semaphore(%run_scoped3A : memref<!tpu.dma_semaphore, #tpu.memory_space<semaphore_mem>>)
      %dma_wait3A_291 = tpu.memref_slice %arg7[%mul3A_2] : memref<1024xf32, #tpu.memory_space<hbm>> -> memref<32xf32, #tpu.memory_space<hbm>>
      %dma_wait3A_292 = tpu.memref_slice %arg7[%mul3A_2] : memref<1024xf32, #tpu.memory_space<hbm>> -> memref<32xf32, #tpu.memory_space<hbm>>
      tpu.wait_dma2 semaphore(%run_scoped3A : memref<!tpu.dma_semaphore, #tpu.memory_space<semaphore_mem>>) src(%arg17 : memref<32xf32, #tpu.memory_space<vmem>>) dst(%dma_wait3A_292 : memref<32xf32, #tpu.memory_space<hbm>>)
      tpu.yield
    }) : () -> ()
    return
  }
}

module attributes {stable_mosaic.version = 14 : i64} {
  func.func @_nll_body(%arg0: memref<8x128xf32, #tpu.memory_space<vmem>>, %arg1: memref<8x128xf32, #tpu.memory_space<vmem>>, %arg2: memref<1x1xf32, #tpu.memory_space<smem>>) attributes {dimension_semantics = [], scalar_prefetch = 0 : i64, scratch_operands = 0 : i64, tpu.core_type = #tpu.core_type<tc>} {
    %get3A = arith.constant 0 : index
    %get3A_0 = arith.constant 0 : index
    %get3A_1 = vector.load %arg0[%get3A, %get3A_0] : memref<8x128xf32, #tpu.memory_space<vmem>>, vector<8x128xf32>
    %log3A = math.log %get3A_1 : vector<8x128xf32>
    %reduce_sum3A = vector.shape_cast %log3A : vector<8x128xf32> to vector<1x8x128xf32>
    %reduce_sum3A_2 = arith.constant dense<0.000000e+00> : vector<1xf32>
    %reduce_sum3A_3 = vector.multi_reduction <add>, %reduce_sum3A, %reduce_sum3A_2 [1, 2] : vector<1x8x128xf32> to vector<1xf32>
    %reduce_sum3A_4 = vector.shape_cast %reduce_sum3A_3 : vector<1xf32> to vector<1x1x1xf32>
    %reduce_sum3A_5 = vector.extract %reduce_sum3A_4[0, 0, 0] : f32 from vector<1x1x1xf32>
    %get3A_6 = arith.constant 0 : index
    %get3A_7 = arith.constant 0 : index
    %get3A_8 = vector.load %arg1[%get3A_6, %get3A_7] : memref<8x128xf32, #tpu.memory_space<vmem>>, vector<8x128xf32>
    %log3A_9 = math.log %get3A_8 : vector<8x128xf32>
    %reduce_sum3A_10 = vector.shape_cast %log3A_9 : vector<8x128xf32> to vector<1x8x128xf32>
    %reduce_sum3A_11 = arith.constant dense<0.000000e+00> : vector<1xf32>
    %reduce_sum3A_12 = vector.multi_reduction <add>, %reduce_sum3A_10, %reduce_sum3A_11 [1, 2] : vector<1x8x128xf32> to vector<1xf32>
    %reduce_sum3A_13 = vector.shape_cast %reduce_sum3A_12 : vector<1xf32> to vector<1x1x1xf32>
    %reduce_sum3A_14 = vector.extract %reduce_sum3A_13[0, 0, 0] : f32 from vector<1x1x1xf32>
    %sub3A = arith.subf %reduce_sum3A_5, %reduce_sum3A_14 : f32
    %mul3A = arith.constant 9.765625E-4 : f32
    %mul3A_15 = arith.mulf %sub3A, %mul3A : f32
    %swap3A = arith.constant 0 : index
    %swap3A_16 = arith.constant 0 : index
    %swap3A_17 = memref.load %arg2[%swap3A, %swap3A_16] : memref<1x1xf32, #tpu.memory_space<smem>>
    memref.store %mul3A_15, %arg2[%swap3A, %swap3A_16] : memref<1x1xf32, #tpu.memory_space<smem>>
    return
  }
}

module attributes {stable_mosaic.version = 14 : i64} {
  func.func @_mm_exp_body(%arg0: memref<1000x128xf32, #tpu.memory_space<vmem>>, %arg1: memref<1000x128xf32, #tpu.memory_space<vmem>>, %arg2: memref<8000x128xf32, #tpu.memory_space<vmem>>) attributes {dimension_semantics = [], scalar_prefetch = 0 : i64, scratch_operands = 0 : i64, tpu.core_type = #tpu.core_type<tc>} {
    %get3A = arith.constant 0 : index
    %get3A_0 = arith.constant 0 : index
    %get3A_1 = vector.load %arg0[%get3A, %get3A_0] : memref<1000x128xf32, #tpu.memory_space<vmem>>, vector<1000x128xf32>
    %get3A_2 = arith.constant 0 : index
    %get3A_3 = arith.constant 0 : index
    %get3A_4 = vector.load %arg1[%get3A_2, %get3A_3] : memref<1000x128xf32, #tpu.memory_space<vmem>>, vector<1000x128xf32>
    %dot_general3A = arith.constant dense<0.000000e+00> : vector<1000x1000xf32>
    %dot_general3A_5 = tpu.matmul %get3A_1, %get3A_4, %dot_general3A {dimension_numbers = #tpu.dot_dimension_numbers<[1], [1], [0], [0], [0, 0, 1, 0], [], []>, transpose_lhs_hint = false} : vector<1000x128xf32>, vector<1000x128xf32>, vector<1000x1000xf32> -> vector<1000x1000xf32>
    %exp3A = math.exp %dot_general3A_5 : vector<1000x1000xf32>
    %slice3A = vector.extract_strided_slice %exp3A {offsets = [0, 0], sizes = [1000, 128], strides = [1, 1]} : vector<1000x1000xf32> to vector<1000x128xf32>
    %swap3A = arith.constant 0 : index
    %swap3A_6 = arith.constant 0 : index
    %swap3A_7 = vector.load %arg2[%swap3A, %swap3A_6] : memref<8000x128xf32, #tpu.memory_space<vmem>>, vector<1000x128xf32>
    tpu.vector_store %arg2[%swap3A, %swap3A_6], %slice3A {strides = array<i32>} : memref<8000x128xf32, #tpu.memory_space<vmem>>, vector<1000x128xf32>,
    %slice3A_8 = vector.extract_strided_slice %exp3A {offsets = [0, 128], sizes = [1000, 128], strides = [1, 1]} : vector<1000x1000xf32> to vector<1000x128xf32>
    %swap3A_9 = arith.constant 1000 : index
    %swap3A_10 = arith.constant 0 : index
    %swap3A_11 = vector.load %arg2[%swap3A_9, %swap3A_10] : memref<8000x128xf32, #tpu.memory_space<vmem>>, vector<1000x128xf32>
    tpu.vector_store %arg2[%swap3A_9, %swap3A_10], %slice3A_8 {strides = array<i32>} : memref<8000x128xf32, #tpu.memory_space<vmem>>, vector<1000x128xf32>,
    %slice3A_12 = vector.extract_strided_slice %exp3A {offsets = [0, 256], sizes = [1000, 128], strides = [1, 1]} : vector<1000x1000xf32> to vector<1000x128xf32>
    %swap3A_13 = arith.constant 2000 : index
    %swap3A_14 = arith.constant 0 : index
    %swap3A_15 = vector.load %arg2[%swap3A_13, %swap3A_14] : memref<8000x128xf32, #tpu.memory_space<vmem>>, vector<1000x128xf32>
    tpu.vector_store %arg2[%swap3A_13, %swap3A_14], %slice3A_12 {strides = array<i32>} : memref<8000x128xf32, #tpu.memory_space<vmem>>, vector<1000x128xf32>,
    %slice3A_16 = vector.extract_strided_slice %exp3A {offsets = [0, 384], sizes = [1000, 128], strides = [1, 1]} : vector<1000x1000xf32> to vector<1000x128xf32>
    %swap3A_17 = arith.constant 3000 : index
    %swap3A_18 = arith.constant 0 : index
    %swap3A_19 = vector.load %arg2[%swap3A_17, %swap3A_18] : memref<8000x128xf32, #tpu.memory_space<vmem>>, vector<1000x128xf32>
    tpu.vector_store %arg2[%swap3A_17, %swap3A_18], %slice3A_16 {strides = array<i32>} : memref<8000x128xf32, #tpu.memory_space<vmem>>, vector<1000x128xf32>,
    %slice3A_20 = vector.extract_strided_slice %exp3A {offsets = [0, 512], sizes = [1000, 128], strides = [1, 1]} : vector<1000x1000xf32> to vector<1000x128xf32>
    %swap3A_21 = arith.constant 4000 : index
    %swap3A_22 = arith.constant 0 : index
    %swap3A_23 = vector.load %arg2[%swap3A_21, %swap3A_22] : memref<8000x128xf32, #tpu.memory_space<vmem>>, vector<1000x128xf32>
    tpu.vector_store %arg2[%swap3A_21, %swap3A_22], %slice3A_20 {strides = array<i32>} : memref<8000x128xf32, #tpu.memory_space<vmem>>, vector<1000x128xf32>,
    %slice3A_24 = vector.extract_strided_slice %exp3A {offsets = [0, 640], sizes = [1000, 128], strides = [1, 1]} : vector<1000x1000xf32> to vector<1000x128xf32>
    %swap3A_25 = arith.constant 5000 : index
    %swap3A_26 = arith.constant 0 : index
    %swap3A_27 = vector.load %arg2[%swap3A_25, %swap3A_26] : memref<8000x128xf32, #tpu.memory_space<vmem>>, vector<1000x128xf32>
    tpu.vector_store %arg2[%swap3A_25, %swap3A_26], %slice3A_24 {strides = array<i32>} : memref<8000x128xf32, #tpu.memory_space<vmem>>, vector<1000x128xf32>,
    %slice3A_28 = vector.extract_strided_slice %exp3A {offsets = [0, 768], sizes = [1000, 128], strides = [1, 1]} : vector<1000x1000xf32> to vector<1000x128xf32>
    %swap3A_29 = arith.constant 6000 : index
    %swap3A_30 = arith.constant 0 : index
    %swap3A_31 = vector.load %arg2[%swap3A_29, %swap3A_30] : memref<8000x128xf32, #tpu.memory_space<vmem>>, vector<1000x128xf32>
    tpu.vector_store %arg2[%swap3A_29, %swap3A_30], %slice3A_28 {strides = array<i32>} : memref<8000x128xf32, #tpu.memory_space<vmem>>, vector<1000x128xf32>,
    %slice3A_32 = vector.extract_strided_slice %exp3A {offsets = [0, 896], sizes = [1000, 104], strides = [1, 1]} : vector<1000x1000xf32> to vector<1000x104xf32>
    %swap3A_33 = arith.constant 7000 : index
    %swap3A_34 = arith.constant 0 : index
    %swap3A_35 = vector.load %arg2[%swap3A_33, %swap3A_34] : memref<8000x128xf32, #tpu.memory_space<vmem>>, vector<1000x104xf32>
    tpu.vector_store %arg2[%swap3A_33, %swap3A_34], %slice3A_32 {strides = array<i32>} : memref<8000x128xf32, #tpu.memory_space<vmem>>, vector<1000x104xf32>,
    return
  }
}

</mosaic_0001>

<sc_bundles>
// kernel: kernel.5.cloned.1.call-start
scs
__scs_entry_jumppad:
0x0: {  	(pc) =	sbr.rel $0x88, $3  }
0x1: {  	(tag) =	ssettag $0x0;
	lr =	simm.s32 $0x1  }
0x2: {  	[smem:$0x3F9C] =	sst lr;
	_ =	strace $0xD0000000  }
0x3: {  	_ = 	snop  }
0x4: {  	_ = 	snop  }
0x5: {  	_ = 	snop  }
0x6: {  	_ = 	snop  }
0x7: {  	_ = 	snop  }
__scs_overlays_trampoline_lowered:
0x8: {  	[smem:$0x3FAB] =	sst s0  }
0x9: {  	[smem:$0x3FAC] =	sst s1  }
0xa: {  	[smem:$0x3FAD] =	sst s2  }
0xb: {  	[smem:$0x3FAE] =	sst s3  }
0xc: {  	[smem:$0x3FAF] =	sst s4  }
0xd: {  	[smem:$0x3FB0] =	sst s5  }
0xe: {  	[smem:$0x3FB1] =	sst s6  }
0xf: {  	[smem:$0x3FB2] =	sst s7  }
0x10: {  	[smem:$0x3FB3] =	sst s8  }
0x11: {  	[smem:$0x3FB4] =	sst s9;
	s0 =	simm.s32 @!p0 $0x0  }
0x12: {  	s1 =	sld [smem:$0x3F9A];
	s0 =	simm.s32 @p0 $0x1  }
0x13: {  	[smem:$0x3FB5] =	sst s0;
	s0 =	simm.s32 @!p1 $0x0  }
0x14: {  	s2 =	sld [smem:$0x3F99];
	s0 =	simm.s32 @p1 $0x1  }
0x15: {  	[smem:$0x3FB6] =	sst s0;
	s0 =	simm.s32 @!p2 $0x0  }
0x16: {  	s3 =	sld [smem:$0x3FDB];
	s0 =	simm.s32 @p2 $0x1  }
0x17: {  	s4 =	simm.s32 $0x1BF5;
	[smem:$0x3FB8] =	sst s0  }
0x18: {  	s0 =	sld [smem:$0x3F9B];
	_ =	swait.ge [sflag:s4], $0x0  }
0x19: {  	s7 =	sld [smem:$0x3F9C]  }
0x1a: {  	s8 =	sadd.s32 $0xFFFFE003, lr  }
0x1b: {  	s9 =	sadd.s32 $0xFFFFFEF7, lr;
	s5 =	simm.s32 $0xFFFFFFFF;
	p2 =	slt.u32 s8, $0xFFFFF086  }
0x1c: {  	p1 =	slt.u32 s9, $0xF7A;
	s5 =	simm.s32 @!p2 $0x0  }
0x1d: {  	s5 =	simm.s32 @p1 $0x1;
	p0 =	seq.s32 s7, s2  }
0x1e: {  	s7 =	smul.u32 @!p0 $0xF7A, s2;
	p2 =	seq.s32 @!p0 s5, $0x0  }
0x1f: {  	s9 =	smul.u32 $0xF7A, s1;
	s8 =	simm.s32 @!p0 $0x1BF5;
	p2 =	por !p2, p0  }
0x20: {  	[sflag:s8] =	ssyncset.s32 @!p0 $0xFFFFF086;
	s6 =	sadd.s32 @!p0 s3, s7;
	s7 =	simm.s32 @!p0 $0x108  }
0x21: {  	s3 =	sadd.s32 s3, s9;
	s6 =	sadd.s32 @!p0 $0x88, s6;
	s7 =	simm.s32 @p2 $0x1082  }
0x22: {  	[simem:s7], [sflag:s8] =	dma.local @!p0 [hbm:s6], $0xF7A  }
0x23: {  	s9 =	sor.u32 $0xD0000000, s2;
	s6 =	simm.s32 $0x108;
	_ =	swait.ge @!p0 [sflag:s8], $0x0  }
0x24: {  	s3 =	sadd.s32 $0x88, s3;
	s6 =	simm.s32 @!p1 $0x1082;
	[sflag:s4] =	ssyncset.s32 $0xFFFFF086  }
0x25: {  	[simem:s6], [sflag:s4] =	dma.local [hbm:s3], $0xF7A  }
0x26: {  	[smem:$0x3F9C] =	sst s1;
	(tag) =	ssettag s2;
	_ =	strace s9  }
0x27: {  	s1 =	sld [smem:$0x3FAC]  }
0x28: {  	s2 =	sld [smem:$0x3FAD]  }
0x29: {  	s4 =	sld [smem:$0x3FAF]  }
0x2a: {  	p0 =	seq.s32 s5, $0x0;
	s5 =	sld [smem:$0x3FB0]  }
0x2b: {  	s6 =	sld [smem:$0x3FB1]  }
0x2c: {  	s7 =	sld [smem:$0x3FB2]  }
0x2d: {  	s3 =	simm.s32 $0x108;
	s8 =	sld [smem:$0x3FB3]  }
0x2e: {  	s3 =	simm.s32 @!p0 $0x1082;
	s9 =	sld [smem:$0x3FB4]  }
0x2f: {  	lr =	sadd.s32 s0, s3;
	s0 =	sld [smem:$0x3FAB]  }
0x30: {  	s3 =	sld [smem:$0x3FAE]  }
0x31: {  	[smem:$0x3FB7] =	sst s10  }
0x32: {  	s10 =	sld [smem:$0x3FB5];
	_ =	sdelay $0x3  }
0x33: {  	p0 =	seq.s32 s10, $0x1;
	s10 =	sld [smem:$0x3FB7];
	_ =	sdelay $0x3  }
0x34: {  	[smem:$0x3FB7] =	sst s10  }
0x35: {  	s10 =	sld [smem:$0x3FB6];
	_ =	sdelay $0x3  }
0x36: {  	p1 =	seq.s32 s10, $0x1;
	s10 =	sld [smem:$0x3FB7];
	_ =	sdelay $0x3  }
0x37: {  	[smem:$0x3FB7] =	sst s10  }
0x38: {  	s10 =	sld [smem:$0x3FB8]  }
0x39: {  	_ = 	snop;
	(pc) =	sbr.ind lr, $3  }
0x3a: {  	_ = 	snop  }
0x3b: {  	_ = 	snop  }
0x3c: {  	p2 =	seq.s32 s10, $0x1;
	s10 =	sld [smem:$0x3FB7]  }
0x3d: {  	_ =	shalt  }
0x3e: {  	_ =	shalt  }
0x3f: {  	_ =	shalt  }
0x40: {  	_ =	shalt  }
0x41: {  	_ =	shalt  }
0x42: {  	_ =	shalt  }
0x43: {  	_ =	shalt  }
0x44: {  	_ =	shalt  }
0x45: {  	_ =	shalt  }
0x46: {  	_ =	shalt  }
0x47: {  	_ =	shalt  }
0x48: {  	_ =	shalt  }
0x49: {  	_ =	shalt  }
0x4a: {  	_ =	shalt  }
0x4b: {  	_ =	shalt  }
0x4c: {  	_ =	shalt  }
0x4d: {  	_ =	shalt  }
0x4e: {  	_ =	shalt  }
0x4f: {  	_ =	shalt  }
0x50: {  	_ =	shalt  }
0x51: {  	_ =	shalt  }
0x52: {  	_ =	shalt  }
0x53: {  	_ =	shalt  }
0x54: {  	_ =	shalt  }
0x55: {  	_ =	shalt  }
0x56: {  	_ =	shalt  }
0x57: {  	_ =	shalt  }
0x58: {  	_ =	shalt  }
0x59: {  	_ =	shalt  }
0x5a: {  	_ =	shalt  }
0x5b: {  	_ =	shalt  }
0x5c: {  	_ =	shalt  }
0x5d: {  	_ =	shalt  }
0x5e: {  	_ =	shalt  }
0x5f: {  	_ =	shalt  }
0x60: {  	_ =	shalt  }
0x61: {  	_ =	shalt  }
0x62: {  	_ =	shalt  }
0x63: {  	_ =	shalt  }
0x64: {  	_ =	shalt  }
0x65: {  	_ =	shalt  }
0x66: {  	_ =	shalt  }
0x67: {  	_ =	shalt  }
0x68: {  	_ =	shalt  }
0x69: {  	_ =	shalt  }
0x6a: {  	_ =	shalt  }
0x6b: {  	_ =	shalt  }
0x6c: {  	_ =	shalt  }
0x6d: {  	_ =	shalt  }
0x6e: {  	_ =	shalt  }
0x6f: {  	_ =	shalt  }
0x70: {  	_ =	shalt  }
0x71: {  	_ =	shalt  }
0x72: {  	_ =	shalt  }
0x73: {  	_ =	shalt  }
0x74: {  	_ =	shalt  }
0x75: {  	_ =	shalt  }
0x76: {  	_ =	shalt  }
0x77: {  	_ =	shalt  }
0x78: {  	_ =	shalt  }
0x79: {  	_ =	shalt  }
0x7a: {  	_ =	shalt  }
0x7b: {  	_ =	shalt  }
0x7c: {  	_ =	shalt  }
0x7d: {  	_ =	shalt  }
0x7e: {  	_ =	shalt  }
0x7f: {  	_ =	shalt  }
0x80: {  	_ =	shalt  }
0x81: {  	_ =	shalt  }
0x82: {  	_ =	shalt  }
0x83: {  	_ =	shalt  }
0x84: {  	_ =	shalt  }
0x85: {  	_ =	shalt  }
0x86: {  	_ =	shalt  }
0x87: {  	_ =	shalt  }
.Lfunc_end0:
.L_simem_size_0:
called_computation_lowered:
.L_overlay_start_0:
0x88: {  	s2 =	sld [smem:$0x3FD9]  }
0x89: {  	s3 =	sld [smem:$0x3FFE];
	_ =	sdelay $0x1  }
0x8a: {  	s1 =	srdreg.scid  }
0x8b: {  	s0 =	sand.u32 $0x1, s1  }
0x8c: {  	s17 =	sshll.u32 s0, $0xA;
	s2 =	sadd.s32 s3, s2  }
0x8d: {  	s2 =	sadd.s32 s2, s17  }
0x8e: {  	[smem:$0x3FC3] =	sst s2  }
0x8f: {  	_ = 	snop  }
0x90: {  	s2 =	sld [smem:$0x3FC9]  }
0x91: {  	s18 =	sld [smem:$0x3FC8]  }
0x92: {  	s4 =	sld [smem:$0x3FC7];
	(tm) =	ssettm $0x1  }
0x93: {  	s5 =	sld [smem:$0x3FFB];
	_ =	sdelay $0x3  }
0x94: {  	_ =	strace s5  }
0x95: {  	s5 =	sld [smem:$0x3FFC];
	_ =	sdelay $0x3  }
0x96: {  	_ =	strace s5  }
0x97: {  	s5 =	sld [smem:$0x3FFD];
	_ =	sdelay $0x3  }
0x98: {  	_ =	strace s5  }
0x99: {  	_ =	strace $0x8FFFFFFF  }
0x9a: {  	s19 =	sld [smem:$0x3FDB];
	_ =	sdelay $0x1  }
0x9b: {  	s6 =	simm.s32 $_scs_section_size  }
0x9c: {  	s7 =	simm.s32 $_size__tile_overlayer_lowered;
	s8 =	simm.s32 $_tile_overlayer_lowered  }
0x9d: {  	s22 =	simm.s32 $0x1BFF;
	s21 =	sshll.u32 s8, $0x1;
	s5 =	sadd.s32 s6, s19  }
0x9e: {  	s9 =	simm.s32 $0x0;
	s20 =	sshll.u32 s7, $0x1;
	s7 =	sadd.s32 s21, s5  }
0x9f: {  	[timem:s9], [sflag:s22] =	dma.local [hbm:s7], s20  }
0xa0: {  	_ =	swait.ge [sflag:s22], s20  }
0xa1: {  	s6 =	ssub.s32 $0x0, s20;
	[sflag:s22] =	ssyncset.done $0x0  }
0xa2: {  	[sflag:s22] =	ssyncadd.s32 s6;
	_ =	sdelay $0x1  }
0xa3: {  	s23 =	simm.s32 $0x1B8B  }
0xa4: {  	_ =	swait.ge [sflag:s23], $0x1  }
0xa5: {  	[sflag:s23] =	ssyncset.done $0x0  }
0xa6: {  	s25 =	simm.s32 $0x1B8E;
	s24 =	sld [smem:$0x3FFE];
	[sflag:s23] =	ssyncadd.s32 $0xFFFFFFFF  }
0xa7: {  	s26 =	simm.s32 $execute0_lowered;
	[smem:$0x3FD2] =	sst s25  }
0xa8: {  	s7 =	sshll.u32 s26, $0x1;
	_ =	strace $0x80000046;
	[dreg:$0x1] =	wrdreg $0xFFFFFFFF  }
0xa9: {  	s28 =	simm.s32 $_size_execute0_lowered;
	s5 =	sadd.s32 s5, s7;
	[dreg:$0x0] =	wrdreg $0x0  }
0xaa: {  	s7 =	sshll.u32 s28, $0x1;
	[dreg:$0x2] =	wrdreg s5  }
0xab: {  	[dreg:$0x3] =	wrdreg s7  }
0xac: {  	[dreg:$0x4] =	wrdreg $0xC0  }
0xad: {  	_ =	task [dreg:s9], $0x5FFFF  }
0xae: {  	[dreg:$0x1] =	wrdreg $0xFFFFFFFF  }
0xaf: {  	[dreg:$0x0] =	wrdreg $0x60  }
0xb0: {  	[dreg:$0x2] =	wrdreg s24  }
0xb1: {  	[dreg:$0x3] =	wrdreg s2  }
0xb2: {  	[dreg:$0x4] =	wrdreg s18  }
0xb3: {  	[dreg:$0x5] =	wrdreg s4  }
0xb4: {  	[dreg:$0x6] =	wrdreg $0x9  }
0xb5: {  	_ =	task.clear_ibuf [dreg:s9], $0x7FFFF;
	_ =	strace $0x90000046  }
0xb6: {  	s29 =	simm.s32 $0x9;
	_ =	strace $0x80000048  }
0xb7: {  	_ =	swait.ge [sflag:s29], $0x1  }
0xb8: {  	[sflag:s29] =	ssyncadd.s32 $0xFFFFFFFF  }
0xb9: {  	_ =	strace $0x90000048  }
0xba: {  	_ =	sfence  }
0xbb: {  	s30 =	sld [smem:$0x0];
	_ =	sdelay $0x2  }
0xbc: {  	s31 =	sshll.u32 s1, $0xD;
	s1 =	sshrl.u32 s1, $0x2  }
0xbd: {  	s3 =	sand.u32 $0x4000, s31;
	s1 =	sadd.s32 s1, s30  }
0xbe: {  	s0 =	sor.u32 s3, s0;
	s1 =	sshll.u32 s1, $0x11  }
0xbf: {  	s0 =	sor.u32 s1, s0  }
0xc0: {  	s0 =	sadd.s32 $0x8F2B, s0  }
0xc1: {  	[sflag:s0] =	ssyncadd.remote.s32 $0x1  }
0xc2: {  	_ =	sfence.sel $0xFFFF  }
0xc3: {  	[dreg:$0x0] =	wrdreg $0xFFFFFFFF;
	(pc) =	sbr.abs _section_cstart, $3  }
0xc4: {  	[dreg:$0x1] =	wrdreg $0xFFFFFFFF  }
0xc5: {  	_ =	task.clear_ibuf [dreg:s9], $0x2FFFF;
	_ =	strace $0x9FFFFFFF  }
0xc6: {  	(tm) =	ssettm $0x7FFFFFFF  }
0xc7: {  	_ =	shalt  }
tec
execute0_lowered:
.L_overlay_start_1:
0x0: {  	(tag) =	ssettag $0x1  }
0x1: {  	s4 =	rddreg [dreg:$0x0]  }
0x2: {  	s5 =	rddreg [dreg:$0x1]  }
0x3: {  	s7 =	rddreg [dreg:$0x2]  }
0x4: {  	s6 =	rddreg [dreg:$0x3];
	s2 =	srdreg.scid  }
0x5: {  	s0 =	rddreg [dreg:$0x4];
	s1 =	stileid.u32;
	s13 =	simm.s32 $0x80  }
0x6: {  	s14 =	simm.s32 $0x40;
	s15 =	simm.s32 $0x7E40;
	s16 =	simm.s32 $0xC0  }
0x7: {  	s17 =	simm.s32 $0xBE40;
	s18 =	simm.s32 $0x20;
	s19 =	simm.s32 $0x3  }
0x8: {  	s20 =	simm.s32 $0x1;
	s21 =	simm.s32 $0x4;
	s22 =	simm.s32 $0x2  }
0x9: {  	s23 =	simm.s32 $0xFE40;
	s24 =	simm.s32 $0xFE60;
	s25 =	simm.s32 $0x0  }
0xa: {  	v17 =	vlaneseq.u32;
	s3 =	sand.u32 $0x1, s2;
	s2 =	simm.s32 $0x0;
	s8 =	sshll.u32 s1, $0x3  }
0xb: {  	s31 =	sshll.u32 s1, $0x6;
	v1 =	vand.u32 $0x7, v17;
	s9 =	sshll.u32 s3, $0x2;
	[smem:$0x7FF] =	sst s2  }
0xc: {  	v0 =	vshrl.u32 v17, $0x3;
	v17 =	vmul.u32 $0x400, v17;
	s10 =	ssub.s32 $0x2, s3;
	s3 =	sadd.s32 $0x1200, s4;
	v1 =	vmul.u32 $0x3E8, v1;
	s8 =	sor.u32 s9, s8  }
0xd: {  	v2 =	vor.u32 $0x2, v0;
	v3 =	vor.u32 $0x4, v0;
	v4 =	vor.u32 $0x6, v0;
	_ =	strace $0x80000047;
	s11 =	sshrl.u32 s10, $0x1;
	s9 =	sor.u32 s31, s8  }
0xe: {  	v5 =	vor.u32 $0x8, v0;
	v6 =	vor.u32 $0xA, v0;
	v7 =	vor.u32 $0xC, v0;
	s12 =	sadd.s32 s8, s4;
	s10 =	ssub.s32 s10, s11;
	s5 =	sadd.s32 s5, s8  }
0xf: {  	v8 =	vor.u32 $0xE, v0;
	v9 =	vor.u32 $0x10, v0;
	v10 =	vor.u32 $0x12, v0;
	s7 =	sadd.s32 s7, s8;
	s11 =	simm.s32 $0x5;
	s9 =	sand.u32 $0x38C, s9  }
0x10: {  	v11 =	vor.u32 $0x14, v0;
	v12 =	vor.u32 $0x16, v0;
	v13 =	vor.u32 $0x18, v0;
	s8 =	sadd.s32 $0x20600, s12;
	s10 =	smax.u32 s10, $0x1;
	s4 =	sadd.s32 s6, s9  }
0x11: {  	v14 =	vor.u32 $0x1A, v0;
	v15 =	vor.u32 $0x1C, v0;
	v16 =	vor.u32 $0x1E, v0;
	s9 =	sadd.s32 $0x20800, s12;
	s12 =	simm.s32 $0x10;
	s6 =	sadd.s32 $0x2, s4  }
.LBB2_1:
0x12: {  	[tilespmem:s2], [sflag:$0x5] =	stream.linear.gather [hbm4b:s5+s2], $0x20, $0x38;
	[tilespmem:$0xFE80] =	vst v63  }
0x13: {  	_ =	swait.ge [sflag:s11], $0x20  }
0x14: {  	[sflag:s11] =	ssyncset.done $0x0  }
0x15: {  	s26 =	simm.s32 $0x140;
	[sflag:s11] =	ssyncadd.s32 $0xFFFFFFE0  }
0x16: {  	[tilespmem:s26], [sflag:$0x3] =	stream.strided.gather [hbm4b:s4+s12], $0x80, s13, s12, $0x38;
	[tilespmem:$0xFE80] =	vst v63  }
0x17: {  	s28 =	smov.u32 s4;
	s26 =	simm.s32 $0x200  }
.LBB2_2:
0x18: {  	p0 =	sne.s32 s26, $0xF800  }
.Ltmp0:
0x19: {  	_ = 	snop;
	(pc) =	sbr.rel @p0 .LBB2_2-.Ltmp0, $4  }
0x1a: {  	_ = 	snop  }
0x1b: {  	s29 =	sshra.s32 s26, $0x2;
	s26 =	sadd.s32 $0x200, s26  }
0x1c: {  	s28 =	sadd.s32 $0x400, s28;
	s29 =	sadd.s32 $0x140, s29  }
0x1d: {  	[tilespmem:s29], [sflag:$0x3] =	stream.strided.gather [hbm4b:s28+s12], $0x80, s13, s12, $0x38;
	[tilespmem:$0xFE80] =	vst v63  }
0x1e: {  	_ =	sdelay $0x2  }
0x1f: {  	s26 =	simm.s32 $0x0  }
0x20: {  	v18 =	vld.idx.msk [tilespmem:v0+s26+$0x0], $0xffff;
	_ =	sdelay $0x4  }
0x21: {  	v18 =	vadd.s32 v1, v18  }
0x22: {  	[tilespmem:$0x40] =	vst v18  }
0x23: {  	v18 =	vld.idx.msk [tilespmem:v2+s26+$0x0], $0xffff;
	_ =	sdelay $0x4  }
0x24: {  	v18 =	vadd.s32 v1, v18  }
0x25: {  	[tilespmem:$0x50] =	vst v18  }
0x26: {  	v18 =	vld.idx.msk [tilespmem:v3+s26+$0x0], $0xffff;
	_ =	sdelay $0x4  }
0x27: {  	v18 =	vadd.s32 v1, v18  }
0x28: {  	[tilespmem:$0x60] =	vst v18  }
0x29: {  	v18 =	vld.idx.msk [tilespmem:v4+s26+$0x0], $0xffff;
	_ =	sdelay $0x4  }
0x2a: {  	v18 =	vadd.s32 v1, v18  }
0x2b: {  	[tilespmem:$0x70] =	vst v18  }
0x2c: {  	v18 =	vld.idx.msk [tilespmem:v5+s26+$0x0], $0xffff;
	_ =	sdelay $0x4  }
0x2d: {  	v18 =	vadd.s32 v1, v18  }
0x2e: {  	[tilespmem:$0x80] =	vst v18  }
0x2f: {  	v18 =	vld.idx.msk [tilespmem:v6+s26+$0x0], $0xffff;
	_ =	sdelay $0x4  }
0x30: {  	v18 =	vadd.s32 v1, v18  }
0x31: {  	[tilespmem:$0x90] =	vst v18  }
0x32: {  	v18 =	vld.idx.msk [tilespmem:v7+s26+$0x0], $0xffff;
	_ =	sdelay $0x4  }
0x33: {  	v18 =	vadd.s32 v1, v18  }
0x34: {  	[tilespmem:$0xA0] =	vst v18  }
0x35: {  	v18 =	vld.idx.msk [tilespmem:v8+s26+$0x0], $0xffff;
	_ =	sdelay $0x4  }
0x36: {  	v18 =	vadd.s32 v1, v18  }
0x37: {  	[tilespmem:$0xB0] =	vst v18  }
0x38: {  	[tilespmem:s15], [sflag:$0x1] =	stream.indirect.gather [hbm4b:s3+s13], $0x80, s14, s13, $0xb8;
	[tilespmem:$0xFE80] =	vst v63  }
0x39: {  	s31 =	simm.s32 $0x3FC0;
	s28 =	smov.u32 s6;
	s26 =	simm.s32 $0x200  }
0x3a: {  	[tilespmem:s31], [sflag:$0x4] =	stream.strided.gather [hbm4b:s6+s12], $0x80, s13, s12, $0x38;
	[tilespmem:$0xFE80] =	vst v63  }
.LBB2_4:
0x3b: {  	p0 =	sne.s32 s26, $0xF800  }
.Ltmp1:
0x3c: {  	_ = 	snop;
	(pc) =	sbr.rel @p0 .LBB2_4-.Ltmp1, $4  }
0x3d: {  	_ = 	snop  }
0x3e: {  	s29 =	sshra.s32 s26, $0x2;
	s26 =	sadd.s32 $0x200, s26  }
0x3f: {  	s28 =	sadd.s32 $0x400, s28;
	s29 =	sadd.s32 $0x3FC0, s29  }
0x40: {  	[tilespmem:s29], [sflag:$0x4] =	stream.strided.gather [hbm4b:s28+s12], $0x80, s13, s12, $0x38;
	[tilespmem:$0xFE80] =	vst v63  }
0x41: {  	_ =	sdelay $0x2  }
0x42: {  	s26 =	simm.s32 $0x0  }
0x43: {  	v18 =	vld.idx.msk [tilespmem:v9+s26+$0x0], $0xffff;
	_ =	sdelay $0x4  }
0x44: {  	v18 =	vadd.s32 v1, v18  }
0x45: {  	[tilespmem:$0xC0] =	vst v18  }
0x46: {  	v18 =	vld.idx.msk [tilespmem:v10+s26+$0x0], $0xffff;
	_ =	sdelay $0x4  }
0x47: {  	v18 =	vadd.s32 v1, v18  }
0x48: {  	[tilespmem:$0xD0] =	vst v18  }
0x49: {  	v18 =	vld.idx.msk [tilespmem:v11+s26+$0x0], $0xffff;
	_ =	sdelay $0x4  }
0x4a: {  	v18 =	vadd.s32 v1, v18  }
0x4b: {  	[tilespmem:$0xE0] =	vst v18  }
0x4c: {  	v18 =	vld.idx.msk [tilespmem:v12+s26+$0x0], $0xffff;
	_ =	sdelay $0x4  }
0x4d: {  	v18 =	vadd.s32 v1, v18  }
0x4e: {  	[tilespmem:$0xF0] =	vst v18  }
0x4f: {  	v18 =	vld.idx.msk [tilespmem:v13+s26+$0x0], $0xffff;
	_ =	sdelay $0x4  }
0x50: {  	v18 =	vadd.s32 v1, v18  }
0x51: {  	[tilespmem:$0x100] =	vst v18  }
0x52: {  	v18 =	vld.idx.msk [tilespmem:v14+s26+$0x0], $0xffff;
	_ =	sdelay $0x4  }
0x53: {  	v18 =	vadd.s32 v1, v18  }
0x54: {  	[tilespmem:$0x110] =	vst v18  }
0x55: {  	v18 =	vld.idx.msk [tilespmem:v15+s26+$0x0], $0xffff;
	_ =	sdelay $0x4  }
0x56: {  	v18 =	vadd.s32 v1, v18  }
0x57: {  	[tilespmem:$0x120] =	vst v18  }
0x58: {  	v18 =	vld.idx.msk [tilespmem:v16+s26+$0x0], $0xffff;
	_ =	sdelay $0x4  }
0x59: {  	v18 =	vadd.s32 v1, v18  }
0x5a: {  	[tilespmem:$0x130] =	vst v18  }
0x5b: {  	[tilespmem:s17], [sflag:$0x2] =	stream.indirect.gather [hbm4b:s3+s13], $0x80, s16, s13, $0xb8;
	[tilespmem:$0xFE80] =	vst v63  }
0x5c: {  	_ = 	snop  }
0x5d: {  	[tilespmem:s18], [sflag:$0x5] =	stream.linear.gather [hbm4b:s7+s26], $0x20, $0x38;
	[tilespmem:$0xFE80] =	vst v63  }
0x5e: {  	_ =	swait.ge [sflag:s11], $0x20  }
0x5f: {  	[sflag:s11] =	ssyncset.done $0x0  }
0x60: {  	[sflag:s11] =	ssyncadd.s32 $0xFFFFFFE0  }
0x61: {  	_ =	swait.ge [sflag:s19], $0x3E80  }
0x62: {  	[sflag:s19] =	ssyncset.done $0x0  }
0x63: {  	[sflag:s19] =	ssyncadd.s32 $0xFFFFC180  }
0x64: {  	_ =	swait.ge [sflag:s20], $0x4000  }
0x65: {  	[sflag:s20] =	ssyncset.done $0x0  }
0x66: {  	s31 =	simm.s32 $0x0;
	[sflag:s20] =	ssyncadd.s32 $0xFFFFC000  }
0x67: {  	v18 =	vld [tilespmem:s31+$0x140];
	_ =	sdelay $0x1  }
0x68: {  	v19 =	vld [tilespmem:s31+$0x150];
	_ =	sdelay $0x1  }
0x69: {  	v20 =	vld [tilespmem:s31+$0x160]  }
0x6a: {  	v23 =	vld [tilespmem:s31+$0x170];
	v18 =	vadd.s32 v17, v18;
	_ =	sdelay $0x1  }
0x6b: {  	v24 =	vld [tilespmem:s31+$0x180];
	v21 =	vadd.s32 v17, v19  }
0x6c: {  	v28 =	vld [tilespmem:s31+$0x190]  }
0x6d: {  	v25 =	vadd.s32 v17, v20;
	v19 =	vld [tilespmem:s31+$0x1A0]  }
0x6e: {  	s26 =	simm.s32 $0x80;
	v26 =	vadd.s32 v17, v23;
	v22 =	vld.idx.msk [tilespmem:v18+s15+$0x0], $0xffff  }
0x6f: {  	v23 =	vld [tilespmem:s26+$0x140]  }
0x70: {  	v24 =	vadd.s32 v17, v24;
	v20 =	vld.idx.msk [tilespmem:v21+s15+$0x0], $0xffff  }
0x71: {  	v18 =	vld [tilespmem:s31+$0x1B0]  }
0x72: {  	v27 =	vimm.f32 $0.0e+00;
	s28 =	simm.s32 $0x400;
	v21 =	vld.idx.msk [tilespmem:v25+s15+$0x0], $0xffff;
	v25 =	vadd.s32 v17, v28  }
.LBB2_6:
0x73: {  	p0 =	sne.s32 s28, $0xF800;
	v22 =	vadd.f32 v22, v27;
	v26 =	vld.idx.msk [tilespmem:v26+s15+$0x0], $0xffff  }
0x74: {  	v19 =	vadd.s32 v17, v19;
	v27 =	vld [tilespmem:s26+$0x150]  }
0x75: {  	v20 =	vadd.f32 v20, v22;
	v22 =	vld.idx.msk [tilespmem:v24+s15+$0x0], $0xffff  }
0x76: {  	v18 =	vadd.s32 v17, v18;
	v24 =	vld [tilespmem:s26+$0x160]  }
0x77: {  	v20 =	vadd.f32 v21, v20;
	v21 =	vld.idx.msk [tilespmem:v25+s15+$0x0], $0xffff  }
0x78: {  	v23 =	vadd.s32 v17, v23;
	v25 =	vld [tilespmem:s26+$0x170]  }
0x79: {  	v20 =	vadd.f32 v26, v20;
	v28 =	vld.idx.msk [tilespmem:v19+s15+$0x0], $0xffff  }
0x7a: {  	v27 =	vadd.s32 v17, v27;
	v29 =	vld [tilespmem:s26+$0x180]  }
0x7b: {  	v19 =	vadd.f32 v22, v20;
	v30 =	vld.idx.msk [tilespmem:v18+s15+$0x0], $0xffff  }
0x7c: {  	v31 =	vadd.s32 v17, v24;
	v32 =	vld [tilespmem:s26+$0x190]  }
0x7d: {  	v22 =	vld.idx.msk [tilespmem:v23+s15+$0x0], $0xffff;
	v18 =	vadd.f32 v21, v19  }
.Ltmp2:
0x7e: {  	v26 =	vadd.s32 v17, v25;
	v19 =	vld [tilespmem:s26+$0x1A0];
	(pc) =	sbr.rel @p0 .LBB2_6-.Ltmp2, $4  }
0x7f: {  	v20 =	vld.idx.msk [tilespmem:v27+s15+$0x0], $0xffff;
	v23 =	vadd.f32 v28, v18  }
0x80: {  	v24 =	vadd.s32 v17, v29;
	v18 =	vld [tilespmem:s26+$0x1B0]  }
0x81: {  	s26 =	sshra.s32 s28, $0x2;
	v21 =	vld.idx.msk [tilespmem:v31+s15+$0x0], $0xffff;
	v27 =	vadd.f32 v30, v23  }
0x82: {  	s28 =	sadd.s32 $0x200, s28;
	v25 =	vadd.s32 v17, v32;
	v23 =	vld [tilespmem:s26+$0x140]  }
0x83: {  	_ =	sdelay $0x2  }
0x84: {  	v22 =	vadd.f32 v22, v27  }
0x85: {  	v26 =	vld.idx.msk [tilespmem:v26+s15+$0x0], $0xffff  }
0x86: {  	v27 =	vld [tilespmem:s26+$0x150];
	v19 =	vadd.s32 v17, v19;
	v20 =	vadd.f32 v20, v22  }
0x87: {  	v22 =	vld.idx.msk [tilespmem:v24+s15+$0x0], $0xffff  }
0x88: {  	v24 =	vld [tilespmem:s26+$0x160];
	v18 =	vadd.s32 v17, v18;
	v20 =	vadd.f32 v21, v20  }
0x89: {  	v21 =	vld.idx.msk [tilespmem:v25+s15+$0x0], $0xffff  }
0x8a: {  	v23 =	vadd.s32 v17, v23;
	v25 =	vld [tilespmem:s26+$0x170];
	v20 =	vadd.f32 v26, v20  }
0x8b: {  	v19 =	vld.idx.msk [tilespmem:v19+s15+$0x0], $0xffff  }
0x8c: {  	v26 =	vadd.s32 v17, v27;
	v27 =	vld [tilespmem:s26+$0x180];
	v20 =	vadd.f32 v22, v20  }
0x8d: {  	v18 =	vld.idx.msk [tilespmem:v18+s15+$0x0], $0xffff  }
0x8e: {  	v22 =	vadd.s32 v17, v24;
	v24 =	vld [tilespmem:s26+$0x190];
	v20 =	vadd.f32 v21, v20  }
0x8f: {  	v21 =	vld.idx.msk [tilespmem:v23+s15+$0x0], $0xffff  }
0x90: {  	v23 =	vadd.s32 v17, v25;
	v25 =	vld [tilespmem:s26+$0x1A0];
	v19 =	vadd.f32 v19, v20  }
0x91: {  	v20 =	vld.idx.msk [tilespmem:v26+s15+$0x0], $0xffff  }
0x92: {  	v26 =	vadd.s32 v17, v27;
	v27 =	vld [tilespmem:s26+$0x1B0];
	v18 =	vadd.f32 v18, v19  }
0x93: {  	v19 =	vld.idx.msk [tilespmem:v22+s15+$0x0], $0xffff  }
0x94: {  	v22 =	vadd.s32 v17, v24;
	v18 =	vadd.f32 v21, v18  }
0x95: {  	v21 =	vld.idx.msk [tilespmem:v23+s15+$0x0], $0xffff  }
0x96: {  	v23 =	vadd.s32 v17, v25;
	v18 =	vadd.f32 v20, v18  }
0x97: {  	v20 =	vld.idx.msk [tilespmem:v26+s15+$0x0], $0xffff  }
0x98: {  	v24 =	vadd.s32 v17, v27;
	v18 =	vadd.f32 v19, v18  }
0x99: {  	v19 =	vld.idx.msk [tilespmem:v22+s15+$0x0], $0xffff  }
0x9a: {  	v22 =	vld [tilespmem:$0x20];
	v18 =	vadd.f32 v21, v18  }
0x9b: {  	v21 =	vld.idx.msk [tilespmem:v23+s15+$0x0], $0xffff  }
0x9c: {  	v18 =	vadd.f32 v20, v18  }
0x9d: {  	v20 =	vld.idx.msk [tilespmem:v24+s15+$0x0], $0xffff  }
0x9e: {  	v18 =	vadd.f32 v19, v18;
	_ =	sdelay $0x1  }
0x9f: {  	v19 =	vadd.s32 v17, v22;
	v18 =	vadd.f32 v21, v18;
	_ =	sdelay $0x1  }
0xa0: {  	v18 =	vadd.f32 v20, v18;
	_ =	sdelay $0x1  }
0xa1: {  	[tilespmem:$0xFE40] =	vst v18  }
0xa2: {  	v18 =	vld.idx.msk [tilespmem:v19+s15+$0x0], $0xffff;
	_ =	sdelay $0x4  }
0xa3: {  	[tilespmem:$0xFE60] =	vst v18  }
0xa4: {  	_ =	swait.ge [sflag:s21], $0x3E80  }
0xa5: {  	[sflag:s21] =	ssyncset.done $0x0  }
0xa6: {  	[sflag:s21] =	ssyncadd.s32 $0xFFFFC180  }
0xa7: {  	_ =	swait.ge [sflag:s22], $0x4000  }
0xa8: {  	[sflag:s22] =	ssyncset.done $0x0  }
0xa9: {  	s31 =	simm.s32 $0x0;
	[sflag:s22] =	ssyncadd.s32 $0xFFFFC000  }
0xaa: {  	v18 =	vld [tilespmem:s31+$0x3FC0];
	_ =	sdelay $0x1  }
0xab: {  	v19 =	vld [tilespmem:s31+$0x3FD0];
	_ =	sdelay $0x1  }
0xac: {  	v20 =	vld [tilespmem:s31+$0x3FE0]  }
0xad: {  	v23 =	vld [tilespmem:s31+$0x3FF0];
	v18 =	vadd.s32 v17, v18;
	_ =	sdelay $0x1  }
0xae: {  	v24 =	vld [tilespmem:s31+$0x4000];
	v21 =	vadd.s32 v17, v19  }
0xaf: {  	v28 =	vld [tilespmem:s31+$0x4010]  }
0xb0: {  	v25 =	vadd.s32 v17, v20;
	v19 =	vld [tilespmem:s31+$0x4020]  }
0xb1: {  	s26 =	simm.s32 $0x80;
	v26 =	vadd.s32 v17, v23;
	v22 =	vld.idx.msk [tilespmem:v18+s17+$0x0], $0xffff  }
0xb2: {  	v23 =	vld [tilespmem:s26+$0x3FC0]  }
0xb3: {  	v24 =	vadd.s32 v17, v24;
	v20 =	vld.idx.msk [tilespmem:v21+s17+$0x0], $0xffff  }
0xb4: {  	v18 =	vld [tilespmem:s31+$0x4030]  }
0xb5: {  	s28 =	simm.s32 $0x400;
	v27 =	vimm.f32 $0.0e+00;
	v21 =	vld.idx.msk [tilespmem:v25+s17+$0x0], $0xffff;
	v25 =	vadd.s32 v17, v28  }
.LBB2_8:
0xb6: {  	p0 =	sne.s32 s28, $0xF800;
	v22 =	vadd.f32 v22, v27;
	v26 =	vld.idx.msk [tilespmem:v26+s17+$0x0], $0xffff  }
0xb7: {  	v19 =	vadd.s32 v17, v19;
	v27 =	vld [tilespmem:s26+$0x3FD0]  }
0xb8: {  	v20 =	vadd.f32 v20, v22;
	v22 =	vld.idx.msk [tilespmem:v24+s17+$0x0], $0xffff  }
0xb9: {  	v18 =	vadd.s32 v17, v18;
	v24 =	vld [tilespmem:s26+$0x3FE0]  }
0xba: {  	v20 =	vadd.f32 v21, v20;
	v21 =	vld.idx.msk [tilespmem:v25+s17+$0x0], $0xffff  }
0xbb: {  	v23 =	vadd.s32 v17, v23;
	v25 =	vld [tilespmem:s26+$0x3FF0]  }
0xbc: {  	v20 =	vadd.f32 v26, v20;
	v28 =	vld.idx.msk [tilespmem:v19+s17+$0x0], $0xffff  }
0xbd: {  	v27 =	vadd.s32 v17, v27;
	v29 =	vld [tilespmem:s26+$0x4000]  }
0xbe: {  	v19 =	vadd.f32 v22, v20;
	v30 =	vld.idx.msk [tilespmem:v18+s17+$0x0], $0xffff  }
0xbf: {  	v31 =	vadd.s32 v17, v24;
	v32 =	vld [tilespmem:s26+$0x4010]  }
0xc0: {  	v22 =	vld.idx.msk [tilespmem:v23+s17+$0x0], $0xffff;
	v18 =	vadd.f32 v21, v19  }
.Ltmp3:
0xc1: {  	v26 =	vadd.s32 v17, v25;
	v19 =	vld [tilespmem:s26+$0x4020];
	(pc) =	sbr.rel @p0 .LBB2_8-.Ltmp3, $4  }
0xc2: {  	v20 =	vld.idx.msk [tilespmem:v27+s17+$0x0], $0xffff;
	v23 =	vadd.f32 v28, v18  }
0xc3: {  	v24 =	vadd.s32 v17, v29;
	v18 =	vld [tilespmem:s26+$0x4030]  }
0xc4: {  	s26 =	sshra.s32 s28, $0x2;
	v21 =	vld.idx.msk [tilespmem:v31+s17+$0x0], $0xffff;
	v27 =	vadd.f32 v30, v23  }
0xc5: {  	s28 =	sadd.s32 $0x200, s28;
	v25 =	vadd.s32 v17, v32;
	v23 =	vld [tilespmem:s26+$0x3FC0]  }
0xc6: {  	_ =	sdelay $0x2  }
0xc7: {  	v22 =	vadd.f32 v22, v27  }
0xc8: {  	v26 =	vld.idx.msk [tilespmem:v26+s17+$0x0], $0xffff  }
0xc9: {  	v41 =	vld [tilespmem:s26+$0x3FD0];
	v19 =	vadd.s32 v17, v19;
	v20 =	vadd.f32 v20, v22  }
0xca: {  	v42 =	vld.idx.msk [tilespmem:v24+s17+$0x0], $0xffff  }
0xcb: {  	v43 =	vld [tilespmem:s26+$0x3FE0];
	v18 =	vadd.s32 v17, v18;
	v20 =	vadd.f32 v21, v20  }
0xcc: {  	v44 =	vld.idx.msk [tilespmem:v25+s17+$0x0], $0xffff  }
0xcd: {  	v45 =	vld [tilespmem:s26+$0x3FF0];
	v23 =	vadd.s32 v17, v23;
	v20 =	vadd.f32 v26, v20  }
0xce: {  	v19 =	vld.idx.msk [tilespmem:v19+s17+$0x0], $0xffff  }
0xcf: {  	v47 =	vld [tilespmem:s26+$0x4000];
	v46 =	vadd.s32 v17, v41;
	v20 =	vadd.f32 v42, v20  }
0xd0: {  	v18 =	vld.idx.msk [tilespmem:v18+s17+$0x0], $0xffff  }
0xd1: {  	v49 =	vld [tilespmem:s26+$0x4010];
	v48 =	vadd.s32 v17, v43;
	v20 =	vadd.f32 v44, v20  }
0xd2: {  	v50 =	vld.idx.msk [tilespmem:v23+s17+$0x0], $0xffff  }
0xd3: {  	v52 =	vld [tilespmem:s26+$0x4020];
	v51 =	vadd.s32 v17, v45;
	v19 =	vadd.f32 v19, v20  }
0xd4: {  	v53 =	vld.idx.msk [tilespmem:v46+s17+$0x0], $0xffff  }
0xd5: {  	v55 =	vld [tilespmem:s26+$0x4030];
	v54 =	vadd.s32 v17, v47;
	v18 =	vadd.f32 v18, v19  }
0xd6: {  	v19 =	vld.idx.msk [tilespmem:v48+s17+$0x0], $0xffff  }
0xd7: {  	v56 =	vadd.s32 v17, v49;
	v18 =	vadd.f32 v50, v18  }
0xd8: {  	v57 =	vld.idx.msk [tilespmem:v51+s17+$0x0], $0xffff  }
0xd9: {  	v58 =	vadd.s32 v17, v52;
	v18 =	vadd.f32 v53, v18  }
0xda: {  	v59 =	vld.idx.msk [tilespmem:v54+s17+$0x0], $0xffff  }
0xdb: {  	v60 =	vadd.s32 v17, v55;
	v18 =	vadd.f32 v19, v18  }
0xdc: {  	v19 =	vld.idx.msk [tilespmem:v56+s17+$0x0], $0xffff  }
0xdd: {  	v62 =	vld [tilespmem:$0x30];
	v18 =	vadd.f32 v57, v18  }
0xde: {  	v61 =	vld.idx.msk [tilespmem:v58+s17+$0x0], $0xffff  }
0xdf: {  	v18 =	vadd.f32 v59, v18  }
0xe0: {  	v63 =	vld.idx.msk [tilespmem:v60+s17+$0x0], $0xffff  }
0xe1: {  	v18 =	vadd.f32 v19, v18;
	_ =	sdelay $0x1  }
0xe2: {  	v19 =	vadd.s32 v17, v62;
	v18 =	vadd.f32 v61, v18;
	_ =	sdelay $0x1  }
0xe3: {  	v18 =	vadd.f32 v63, v18;
	_ =	sdelay $0x1  }
0xe4: {  	[tilespmem:$0xFE50] =	vst v18  }
0xe5: {  	v18 =	vld.idx.msk [tilespmem:v19+s17+$0x0], $0xffff;
	_ =	sdelay $0x4  }
0xe6: {  	[tilespmem:$0xFE70] =	vst v18  }
0xe7: {  	[hbm4b:s8+s2] =	stream.linear.scatter [tilespmem:s23], [sflag:$0x5], $0x20, $0x38;
	[tilespmem:$0xFE80] =	vst v63  }
0xe8: {  	s25 =	sadd.s32 $0x1, s25;
	_ =	swait.ge [sflag:s11], $0x20  }
0xe9: {  	p0 =	sne.s32 s25, s10;
	[sflag:s11] =	ssyncset.done $0x0  }
.Ltmp4:
0xea: {  	[sflag:s11] =	ssyncadd.s32 $0xFFFFFFE0;
	(pc) =	sbr.rel @p0 .LBB2_1-.Ltmp4, $4  }
0xeb: {  	[hbm4b:s9+s2] =	stream.linear.scatter [tilespmem:s24], [sflag:$0x5], $0x20, $0x38;
	[tilespmem:$0xFE80] =	vst v63  }
0xec: {  	_ =	swait.ge [sflag:s11], $0x20  }
0xed: {  	[sflag:s11] =	ssyncset.done $0x0  }
0xee: {  	[sflag:s11] =	ssyncadd.s32 $0xFFFFFFE0  }
0xef: {  	_ =	sfence.sel $0x180000  }
0xf0: {  	[bflag:$0x0] =	sbarrier.arrive $0xFFFF  }
0xf1: {  	p0 =	sne.s32 s1, $0x0;
	_ =	strace $0x90000047  }
0xf2: {  	s0 =	sadd.s32 @!p0 $0x100000, s0;
	[bflag:$0x2] =	sbarrier.arrive $0xFFFF  }
0xf3: {  	[sflag:s0] =	ssyncadd.tile.s32 @!p0 $0x1;
	_ =	shalt  }
.Lfunc_end2:
_tile_overlayer_lowered:
.L_overlay_start_2:
0xf4: {  	(tag) =	ssettag $0x2  }
0xf5: {  	s0 =	rddreg [dreg:$0x0];
	s2 =	stileid.u32  }
0xf6: {  	s1 =	rddreg [dreg:$0x1];
	p0 =	sne.s32 s2, $0x0  }
0xf7: {  	s3 =	rddreg [dreg:$0x2];
	[bflag:$0x3] =	sbarrier.arrive $0xFFFF;
	s2 =	simm.s32 @!p0 $0x1C05  }
0xf8: {  	[timem:s3], [sflag:s2] =	dma.local @!p0 [hbm:s0], s1  }
0xf9: {  	s0 =	simm.s32 @!p0 $0x5  }
0xfa: {  	_ =	swait.ge @!p0 [sflag:s0], s1  }
0xfb: {  	s1 =	ssub.s32 @!p0 $0x0, s1;
	[sflag:s0] =	ssyncset.done @!p0 $0x0  }
0xfc: {  	[sflag:s0] =	ssyncadd.s32 @!p0 s1  }
0xfd: {  	[bflag:$0x3] =	sbarrier.arrive $0xFFFF  }
0xfe: {  	_ =	shalt  }

</sc_bundles>
